<compile_context>
chip_gen: v7x
topology: tpu7x:2x2x1
jax: 0.10.2.dev20260603
libtpu: 0.0.44.dev20260713+nightly
codegen_flags: <defaults>
</compile_context>

<pallas_src>
import functools

import jax
import jax.numpy as jnp
from jax import lax
from jax.experimental import pallas as pl
from jax.experimental.pallas import tpu as pltpu
from jax.experimental.pallas import tpu_sc as plsc


def kernel(x, W):
    B, H = x.shape
    V, D = W.shape
    N = B * H

    info = plsc.get_sparse_core_info()
    NC, NS = info.num_cores, info.num_subcores
    NW = NC * NS
    rows_per_w = B // NW
    R = 16
    n_chunks = rows_per_w // R
    C = R * H

    mesh = plsc.VectorSubcoreMesh(core_axis_name="c", subcore_axis_name="s")

    @functools.partial(
        pl.kernel,
        mesh=mesh,
        compiler_params=pltpu.CompilerParams(
            use_tc_tiling_on_sc=False, needs_layout_passes=False
        ),
        out_type=jax.ShapeDtypeStruct((B, H, D), jnp.float32),
        scratch_types=[
            pltpu.VMEM((C,), jnp.int32),
            pltpu.VMEM((C, D), jnp.float32),
            pltpu.SemaphoreType.DMA,
            pltpu.SemaphoreType.DMA,
        ],
    )
    def gather_kernel(table_hbm, idx_hbm, out_hbm, idx_v, rows_v, gsem, osem):
        wid = lax.axis_index("s") * NC + lax.axis_index("c")
        base = wid * rows_per_w

        def body(i, carry):
            b0 = base + i * R
            pltpu.sync_copy(idx_hbm.at[pl.ds(b0 * H, C)], idx_v)
            pltpu.async_copy(table_hbm.at[idx_v], rows_v, gsem).wait()
            copies = [
                pltpu.async_copy(
                    rows_v.at[pl.ds(r * H, H)], out_hbm.at[b0 + r], osem
                )
                for r in range(R)
            ]
            for c in copies:
                c.wait()
            return carry

        lax.fori_loop(0, n_chunks, body, 0)

    return gather_kernel(W, x.reshape(N))

# --- scband reference (transcript-rebuilt; emitter-appended) ---
"""Pipeline reference for scband-embedding-dropout-52527450030171 (READ-ONLY COPY).

The authoritative reference and input builder live on the scoring server;
editing this copy changes nothing except your own understanding.
"""

import jax, jax.numpy as jnp
import numpy as np

VOCAB = 1000000
DIM = 32
BATCH = 4096
HIST = 200


def setup_inputs(seed: int = 0) -> dict:
    key = jax.random.key(seed)
    k1, k2 = jax.random.split(key)
    x = jax.random.randint(k1, (BATCH, HIST), 0, VOCAB, dtype=jnp.int32)
    # Embedding table (learned parameter), sized per init_kwargs: nn.Embedding(1000000, 32)
    W = jax.random.normal(k2, (VOCAB, DIM), dtype=jnp.float32) * 0.02
    return {"x": x, "W": W}


def reference(x, W):
    # EmbeddingDropout forward in eval mode (training=False or embed_p==0 path):
    #   masked_embed = emb.weight  (no bernoulli mask applied)
    #   scale is None -> no scaling
    #   F.embedding(x, masked_embed, padding_idx=-1, ...) forward is a pure row gather;
    #   padding_idx only affects the gradient, not the forward output.
    return jnp.take(W, x, axis=0)

if __name__ == "__main__":
    import jax
    _d = setup_inputs()
    print(jax.jit(kernel)(*tuple(_d.values())))

</pallas_src>

<mosaic_0001>
#map = affine_map<(d0, d1) -> (0, 0)>
#map1 = affine_map<(d0, d1) -> (0)>
#map2 = affine_map<(d0, d1) -> (0, 0, 0)>
module attributes {stable_mosaic.version = 14 : i64} {
  func.func @gather_kernel(%arg0: i32, %arg1: i32, %arg2: memref<1000000x32xf32, #tpu.memory_space<hbm>>, %arg3: memref<819200xi32, #tpu.memory_space<hbm>>, %arg4: memref<4096x200x32xf32, #tpu.memory_space<hbm>>, %arg5: memref<3200xi32, #tpu.memory_space<vmem>>, %arg6: memref<3200x32xf32, #tpu.memory_space<vmem>>, %arg7: memref<!tpu.dma_semaphore, #tpu.memory_space<semaphore_mem>>, %arg8: memref<!tpu.dma_semaphore, #tpu.memory_space<semaphore_mem>>) attributes {dimension_semantics = [#tpu.dimension_semantics<core_parallel>, #tpu.dimension_semantics<subcore_parallel>], iteration_bounds = array<i64: 2, 16>, scalar_prefetch = 0 : i64, scratch_operands = 4 : i64, tpu.core_type = #tpu.core_type<sc_vector_subcore>, window_params = [{transform_indices = #map}, {transform_indices = #map1}, {transform_indices = #map2}]} {
    %mul3A = arith.constant 2 : i32
    %mul3A_0 = arith.muli %arg1, %mul3A : i32
    %add3A = arith.addi %mul3A_0, %arg0 : i32
    %mul3A_1 = arith.constant 128 : i32
    %mul3A_2 = arith.muli %add3A, %mul3A_1 : i32
    %scan3A = arith.constant 0 : i32
    %scan3A_3 = arith.constant 0 : i32
    %scan3A_4 = arith.constant 8 : i32
    %scan3A_5 = arith.addi %scan3A_3, %scan3A_4 : i32
    %scan3A_6 = arith.constant 1 : i32
    scf.for %scan3A_8 = %scan3A_3 to %scan3A_5 step %scan3A_6  : i32 {
      %mul3A_9 = arith.constant 16 : i32
      %mul3A_10 = arith.muli %scan3A_8, %mul3A_9 : i32
      %add3A_11 = arith.addi %mul3A_2, %mul3A_10 : i32
      %mul3A_12 = arith.constant 200 : i32
      %mul3A_13 = arith.muli %add3A_11, %mul3A_12 : i32
      "tpu.region"() ({
        %run_scoped3A = tpu.sem_alloc : memref<!tpu.dma_semaphore, #tpu.memory_space<semaphore_mem>>
        %dma_start3A_498 = tpu.memref_slice %arg3[%mul3A_13] : memref<819200xi32, #tpu.memory_space<hbm>> -> memref<3200xi32, #tpu.memory_space<hbm>>
        %dma_start3A_499 = tpu.memref_slice %arg3[%mul3A_13] : memref<819200xi32, #tpu.memory_space<hbm>> -> memref<3200xi32, #tpu.memory_space<hbm>>
        tpu.enqueue_dma source(%dma_start3A_499 : memref<3200xi32, #tpu.memory_space<hbm>>) target(%arg5 : memref<3200xi32, #tpu.memory_space<vmem>>) target_semaphore(%run_scoped3A : memref<!tpu.dma_semaphore, #tpu.memory_space<semaphore_mem>>)
        %dma_wait3A_500 = tpu.memref_slice %arg3[%mul3A_13] : memref<819200xi32, #tpu.memory_space<hbm>> -> memref<3200xi32, #tpu.memory_space<hbm>>
        %dma_wait3A_501 = tpu.memref_slice %arg3[%mul3A_13] : memref<819200xi32, #tpu.memory_space<hbm>> -> memref<3200xi32, #tpu.memory_space<hbm>>
        tpu.wait_dma2 semaphore(%run_scoped3A : memref<!tpu.dma_semaphore, #tpu.memory_space<semaphore_mem>>) src(%dma_wait3A_501 : memref<3200xi32, #tpu.memory_space<hbm>>) dst(%arg5 : memref<3200xi32, #tpu.memory_space<vmem>>)
        tpu.yield
      }) : () -> ()
      %dma_start3A = arith.constant 0 : i32
      %dma_start3A_14 = arith.constant 0 : i32
      %dma_start3A_15 = tpu.memref_slice %arg2[%dma_start3A, %dma_start3A_14] : memref<1000000x32xf32, #tpu.memory_space<hbm>> -> memref<1000000x32xf32, #tpu.memory_space<hbm>>
      tpu.enqueue_indirect_dma source(%dma_start3A_15 : memref<1000000x32xf32, #tpu.memory_space<hbm>>) target(%arg6 : memref<3200x32xf32, #tpu.memory_space<vmem>>) offsets(%arg5 : memref<3200xi32, #tpu.memory_space<vmem>>) semaphore(%arg7 : memref<!tpu.dma_semaphore, #tpu.memory_space<semaphore_mem>>)
      %dma_wait3A = arith.constant 0 : i32
      %dma_wait3A_16 = arith.constant 0 : i32
      %dma_wait3A_17 = tpu.memref_slice %arg2[%dma_wait3A, %dma_wait3A_16] : memref<1000000x32xf32, #tpu.memory_space<hbm>> -> memref<1000000x32xf32, #tpu.memory_space<hbm>>
      tpu.wait_indirect_dma semaphore(%arg7 : memref<!tpu.dma_semaphore, #tpu.memory_space<semaphore_mem>>) src(%dma_wait3A_17 : memref<1000000x32xf32, #tpu.memory_space<hbm>>) dst(%arg6 : memref<3200x32xf32, #tpu.memory_space<vmem>>)
      %add3A_18 = arith.constant 0 : i32
      %add3A_19 = arith.addi %add3A_11, %add3A_18 : i32
      %dma_start3A_20 = arith.constant 0 : i32
      %dma_start3A_21 = arith.constant 0 : i32
      %dma_start3A_22 = tpu.memref_slice %arg6[%dma_start3A_20, %dma_start3A_21] : memref<3200x32xf32, #tpu.memory_space<vmem>> -> memref<200x32xf32, #tpu.memory_space<vmem>>
      %dma_start3A_23 = arith.constant 0 : i32
      %dma_start3A_24 = arith.constant 0 : i32
      %dma_start3A_25 = tpu.memref_slice %arg4[%add3A_19, %dma_start3A_23, %dma_start3A_24] : memref<4096x200x32xf32, #tpu.memory_space<hbm>> -> memref<1x200x32xf32, #tpu.memory_space<hbm>>
      %dma_start3A_26 = tpu.memref_squeeze %dma_start3A_25 : memref<1x200x32xf32, #tpu.memory_space<hbm>> -> memref<200x32xf32, #tpu.memory_space<hbm>>
      %dma_start3A_27 = arith.constant 0 : i32
      %dma_start3A_28 = arith.constant 0 : i32
      %dma_start3A_29 = tpu.memref_slice %arg4[%add3A_19, %dma_start3A_27, %dma_start3A_28] : memref<4096x200x32xf32, #tpu.memory_space<hbm>> -> memref<1x200x32xf32, #tpu.memory_space<hbm>>
      %dma_start3A_30 = tpu.memref_squeeze %dma_start3A_29 : memref<1x200x32xf32, #tpu.memory_space<hbm>> -> memref<200x32xf32, #tpu.memory_space<hbm>>
      %dma_start3A_31 = arith.constant 0 : i32
      %dma_start3A_32 = arith.constant 0 : i32
      %dma_start3A_33 = tpu.memref_slice %arg6[%dma_start3A_31, %dma_start3A_32] : memref<3200x32xf32, #tpu.memory_space<vmem>> -> memref<200x32xf32, #tpu.memory_space<vmem>>
      tpu.enqueue_dma source(%dma_start3A_33 : memref<200x32xf32, #tpu.memory_space<vmem>>) target(%dma_start3A_30 : memref<200x32xf32, #tpu.memory_space<hbm>>) target_semaphore(%arg8 : memref<!tpu.dma_semaphore, #tpu.memory_space<semaphore_mem>>)
      %add3A_34 = arith.constant 1 : i32
      %add3A_35 = arith.addi %add3A_11, %add3A_34 : i32
      %dma_start3A_36 = arith.constant 200 : i32
      %dma_start3A_37 = arith.constant 0 : i32
      %dma_start3A_38 = tpu.memref_slice %arg6[%dma_start3A_36, %dma_start3A_37] : memref<3200x32xf32, #tpu.memory_space<vmem>> -> memref<200x32xf32, #tpu.memory_space<vmem>>
      %dma_start3A_39 = arith.constant 0 : i32
      %dma_start3A_40 = arith.constant 0 : i32
      %dma_start3A_41 = tpu.memref_slice %arg4[%add3A_35, %dma_start3A_39, %dma_start3A_40] : memref<4096x200x32xf32, #tpu.memory_space<hbm>> -> memref<1x200x32xf32, #tpu.memory_space<hbm>>
      %dma_start3A_42 = tpu.memref_squeeze %dma_start3A_41 : memref<1x200x32xf32, #tpu.memory_space<hbm>> -> memref<200x32xf32, #tpu.memory_space<hbm>>
      %dma_start3A_43 = arith.constant 0 : i32
      %dma_start3A_44 = arith.constant 0 : i32
      %dma_start3A_45 = tpu.memref_slice %arg4[%add3A_35, %dma_start3A_43, %dma_start3A_44] : memref<4096x200x32xf32, #tpu.memory_space<hbm>> -> memref<1x200x32xf32, #tpu.memory_space<hbm>>
      %dma_start3A_46 = tpu.memref_squeeze %dma_start3A_45 : memref<1x200x32xf32, #tpu.memory_space<hbm>> -> memref<200x32xf32, #tpu.memory_space<hbm>>
      %dma_start3A_47 = arith.constant 200 : i32
      %dma_start3A_48 = arith.constant 0 : i32
      %dma_start3A_49 = tpu.memref_slice %arg6[%dma_start3A_47, %dma_start3A_48] : memref<3200x32xf32, #tpu.memory_space<vmem>> -> memref<200x32xf32, #tpu.memory_space<vmem>>
      tpu.enqueue_dma source(%dma_start3A_49 : memref<200x32xf32, #tpu.memory_space<vmem>>) target(%dma_start3A_46 : memref<200x32xf32, #tpu.memory_space<hbm>>) target_semaphore(%arg8 : memref<!tpu.dma_semaphore, #tpu.memory_space<semaphore_mem>>)
      %add3A_50 = arith.constant 2 : i32
      %add3A_51 = arith.addi %add3A_11, %add3A_50 : i32
      %dma_start3A_52 = arith.constant 400 : i32
      %dma_start3A_53 = arith.constant 0 : i32
      %dma_start3A_54 = tpu.memref_slice %arg6[%dma_start3A_52, %dma_start3A_53] : memref<3200x32xf32, #tpu.memory_space<vmem>> -> memref<200x32xf32, #tpu.memory_space<vmem>>
      %dma_start3A_55 = arith.constant 0 : i32
      %dma_start3A_56 = arith.constant 0 : i32
      %dma_start3A_57 = tpu.memref_slice %arg4[%add3A_51, %dma_start3A_55, %dma_start3A_56] : memref<4096x200x32xf32, #tpu.memory_space<hbm>> -> memref<1x200x32xf32, #tpu.memory_space<hbm>>
      %dma_start3A_58 = tpu.memref_squeeze %dma_start3A_57 : memref<1x200x32xf32, #tpu.memory_space<hbm>> -> memref<200x32xf32, #tpu.memory_space<hbm>>
      %dma_start3A_59 = arith.constant 0 : i32
      %dma_start3A_60 = arith.constant 0 : i32
      %dma_start3A_61 = tpu.memref_slice %arg4[%add3A_51, %dma_start3A_59, %dma_start3A_60] : memref<4096x200x32xf32, #tpu.memory_space<hbm>> -> memref<1x200x32xf32, #tpu.memory_space<hbm>>
      %dma_start3A_62 = tpu.memref_squeeze %dma_start3A_61 : memref<1x200x32xf32, #tpu.memory_space<hbm>> -> memref<200x32xf32, #tpu.memory_space<hbm>>
      %dma_start3A_63 = arith.constant 400 : i32
      %dma_start3A_64 = arith.constant 0 : i32
      %dma_start3A_65 = tpu.memref_slice %arg6[%dma_start3A_63, %dma_start3A_64] : memref<3200x32xf32, #tpu.memory_space<vmem>> -> memref<200x32xf32, #tpu.memory_space<vmem>>
      tpu.enqueue_dma source(%dma_start3A_65 : memref<200x32xf32, #tpu.memory_space<vmem>>) target(%dma_start3A_62 : memref<200x32xf32, #tpu.memory_space<hbm>>) target_semaphore(%arg8 : memref<!tpu.dma_semaphore, #tpu.memory_space<semaphore_mem>>)
      %add3A_66 = arith.constant 3 : i32
      %add3A_67 = arith.addi %add3A_11, %add3A_66 : i32
      %dma_start3A_68 = arith.constant 600 : i32
      %dma_start3A_69 = arith.constant 0 : i32
      %dma_start3A_70 = tpu.memref_slice %arg6[%dma_start3A_68, %dma_start3A_69] : memref<3200x32xf32, #tpu.memory_space<vmem>> -> memref<200x32xf32, #tpu.memory_space<vmem>>
      %dma_start3A_71 = arith.constant 0 : i32
      %dma_start3A_72 = arith.constant 0 : i32
      %dma_start3A_73 = tpu.memref_slice %arg4[%add3A_67, %dma_start3A_71, %dma_start3A_72] : memref<4096x200x32xf32, #tpu.memory_space<hbm>> -> memref<1x200x32xf32, #tpu.memory_space<hbm>>
      %dma_start3A_74 = tpu.memref_squeeze %dma_start3A_73 : memref<1x200x32xf32, #tpu.memory_space<hbm>> -> memref<200x32xf32, #tpu.memory_space<hbm>>
      %dma_start3A_75 = arith.constant 0 : i32
      %dma_start3A_76 = arith.constant 0 : i32
      %dma_start3A_77 = tpu.memref_slice %arg4[%add3A_67, %dma_start3A_75, %dma_start3A_76] : memref<4096x200x32xf32, #tpu.memory_space<hbm>> -> memref<1x200x32xf32, #tpu.memory_space<hbm>>
      %dma_start3A_78 = tpu.memref_squeeze %dma_start3A_77 : memref<1x200x32xf32, #tpu.memory_space<hbm>> -> memref<200x32xf32, #tpu.memory_space<hbm>>
      %dma_start3A_79 = arith.constant 600 : i32
      %dma_start3A_80 = arith.constant 0 : i32
      %dma_start3A_81 = tpu.memref_slice %arg6[%dma_start3A_79, %dma_start3A_80] : memref<3200x32xf32, #tpu.memory_space<vmem>> -> memref<200x32xf32, #tpu.memory_space<vmem>>
      tpu.enqueue_dma source(%dma_start3A_81 : memref<200x32xf32, #tpu.memory_space<vmem>>) target(%dma_start3A_78 : memref<200x32xf32, #tpu.memory_space<hbm>>) target_semaphore(%arg8 : memref<!tpu.dma_semaphore, #tpu.memory_space<semaphore_mem>>)
      %add3A_82 = arith.constant 4 : i32
      %add3A_83 = arith.addi %add3A_11, %add3A_82 : i32
      %dma_start3A_84 = arith.constant 800 : i32
      %dma_start3A_85 = arith.constant 0 : i32
      %dma_start3A_86 = tpu.memref_slice %arg6[%dma_start3A_84, %dma_start3A_85] : memref<3200x32xf32, #tpu.memory_space<vmem>> -> memref<200x32xf32, #tpu.memory_space<vmem>>
      %dma_start3A_87 = arith.constant 0 : i32
      %dma_start3A_88 = arith.constant 0 : i32
      %dma_start3A_89 = tpu.memref_slice %arg4[%add3A_83, %dma_start3A_87, %dma_start3A_88] : memref<4096x200x32xf32, #tpu.memory_space<hbm>> -> memref<1x200x32xf32, #tpu.memory_space<hbm>>
      %dma_start3A_90 = tpu.memref_squeeze %dma_start3A_89 : memref<1x200x32xf32, #tpu.memory_space<hbm>> -> memref<200x32xf32, #tpu.memory_space<hbm>>
      %dma_start3A_91 = arith.constant 0 : i32
      %dma_start3A_92 = arith.constant 0 : i32
      %dma_start3A_93 = tpu.memref_slice %arg4[%add3A_83, %dma_start3A_91, %dma_start3A_92] : memref<4096x200x32xf32, #tpu.memory_space<hbm>> -> memref<1x200x32xf32, #tpu.memory_space<hbm>>
      %dma_start3A_94 = tpu.memref_squeeze %dma_start3A_93 : memref<1x200x32xf32, #tpu.memory_space<hbm>> -> memref<200x32xf32, #tpu.memory_space<hbm>>
      %dma_start3A_95 = arith.constant 800 : i32
      %dma_start3A_96 = arith.constant 0 : i32
      %dma_start3A_97 = tpu.memref_slice %arg6[%dma_start3A_95, %dma_start3A_96] : memref<3200x32xf32, #tpu.memory_space<vmem>> -> memref<200x32xf32, #tpu.memory_space<vmem>>
      tpu.enqueue_dma source(%dma_start3A_97 : memref<200x32xf32, #tpu.memory_space<vmem>>) target(%dma_start3A_94 : memref<200x32xf32, #tpu.memory_space<hbm>>) target_semaphore(%arg8 : memref<!tpu.dma_semaphore, #tpu.memory_space<semaphore_mem>>)
      %add3A_98 = arith.constant 5 : i32
      %add3A_99 = arith.addi %add3A_11, %add3A_98 : i32
      %dma_start3A_100 = arith.constant 1000 : i32
      %dma_start3A_101 = arith.constant 0 : i32
      %dma_start3A_102 = tpu.memref_slice %arg6[%dma_start3A_100, %dma_start3A_101] : memref<3200x32xf32, #tpu.memory_space<vmem>> -> memref<200x32xf32, #tpu.memory_space<vmem>>
      %dma_start3A_103 = arith.constant 0 : i32
      %dma_start3A_104 = arith.constant 0 : i32
      %dma_start3A_105 = tpu.memref_slice %arg4[%add3A_99, %dma_start3A_103, %dma_start3A_104] : memref<4096x200x32xf32, #tpu.memory_space<hbm>> -> memref<1x200x32xf32, #tpu.memory_space<hbm>>
      %dma_start3A_106 = tpu.memref_squeeze %dma_start3A_105 : memref<1x200x32xf32, #tpu.memory_space<hbm>> -> memref<200x32xf32, #tpu.memory_space<hbm>>
      %dma_start3A_107 = arith.constant 0 : i32
      %dma_start3A_108 = arith.constant 0 : i32
      %dma_start3A_109 = tpu.memref_slice %arg4[%add3A_99, %dma_start3A_107, %dma_start3A_108] : memref<4096x200x32xf32, #tpu.memory_space<hbm>> -> memref<1x200x32xf32, #tpu.memory_space<hbm>>
      %dma_start3A_110 = tpu.memref_squeeze %dma_start3A_109 : memref<1x200x32xf32, #tpu.memory_space<hbm>> -> memref<200x32xf32, #tpu.memory_space<hbm>>
      %dma_start3A_111 = arith.constant 1000 : i32
      %dma_start3A_112 = arith.constant 0 : i32
      %dma_start3A_113 = tpu.memref_slice %arg6[%dma_start3A_111, %dma_start3A_112] : memref<3200x32xf32, #tpu.memory_space<vmem>> -> memref<200x32xf32, #tpu.memory_space<vmem>>
      tpu.enqueue_dma source(%dma_start3A_113 : memref<200x32xf32, #tpu.memory_space<vmem>>) target(%dma_start3A_110 : memref<200x32xf32, #tpu.memory_space<hbm>>) target_semaphore(%arg8 : memref<!tpu.dma_semaphore, #tpu.memory_space<semaphore_mem>>)
      %add3A_114 = arith.constant 6 : i32
      %add3A_115 = arith.addi %add3A_11, %add3A_114 : i32
      %dma_start3A_116 = arith.constant 1200 : i32
      %dma_start3A_117 = arith.constant 0 : i32
      %dma_start3A_118 = tpu.memref_slice %arg6[%dma_start3A_116, %dma_start3A_117] : memref<3200x32xf32, #tpu.memory_space<vmem>> -> memref<200x32xf32, #tpu.memory_space<vmem>>
      %dma_start3A_119 = arith.constant 0 : i32
      %dma_start3A_120 = arith.constant 0 : i32
      %dma_start3A_121 = tpu.memref_slice %arg4[%add3A_115, %dma_start3A_119, %dma_start3A_120] : memref<4096x200x32xf32, #tpu.memory_space<hbm>> -> memref<1x200x32xf32, #tpu.memory_space<hbm>>
      %dma_start3A_122 = tpu.memref_squeeze %dma_start3A_121 : memref<1x200x32xf32, #tpu.memory_space<hbm>> -> memref<200x32xf32, #tpu.memory_space<hbm>>
      %dma_start3A_123 = arith.constant 0 : i32
      %dma_start3A_124 = arith.constant 0 : i32
      %dma_start3A_125 = tpu.memref_slice %arg4[%add3A_115, %dma_start3A_123, %dma_start3A_124] : memref<4096x200x32xf32, #tpu.memory_space<hbm>> -> memref<1x200x32xf32, #tpu.memory_space<hbm>>
      %dma_start3A_126 = tpu.memref_squeeze %dma_start3A_125 : memref<1x200x32xf32, #tpu.memory_space<hbm>> -> memref<200x32xf32, #tpu.memory_space<hbm>>
      %dma_start3A_127 = arith.constant 1200 : i32
      %dma_start3A_128 = arith.constant 0 : i32
      %dma_start3A_129 = tpu.memref_slice %arg6[%dma_start3A_127, %dma_start3A_128] : memref<3200x32xf32, #tpu.memory_space<vmem>> -> memref<200x32xf32, #tpu.memory_space<vmem>>
      tpu.enqueue_dma source(%dma_start3A_129 : memref<200x32xf32, #tpu.memory_space<vmem>>) target(%dma_start3A_126 : memref<200x32xf32, #tpu.memory_space<hbm>>) target_semaphore(%arg8 : memref<!tpu.dma_semaphore, #tpu.memory_space<semaphore_mem>>)
      %add3A_130 = arith.constant 7 : i32
      %add3A_131 = arith.addi %add3A_11, %add3A_130 : i32
      %dma_start3A_132 = arith.constant 1400 : i32
      %dma_start3A_133 = arith.constant 0 : i32
      %dma_start3A_134 = tpu.memref_slice %arg6[%dma_start3A_132, %dma_start3A_133] : memref<3200x32xf32, #tpu.memory_space<vmem>> -> memref<200x32xf32, #tpu.memory_space<vmem>>
      %dma_start3A_135 = arith.constant 0 : i32
      %dma_start3A_136 = arith.constant 0 : i32
      %dma_start3A_137 = tpu.memref_slice %arg4[%add3A_131, %dma_start3A_135, %dma_start3A_136] : memref<4096x200x32xf32, #tpu.memory_space<hbm>> -> memref<1x200x32xf32, #tpu.memory_space<hbm>>
      %dma_start3A_138 = tpu.memref_squeeze %dma_start3A_137 : memref<1x200x32xf32, #tpu.memory_space<hbm>> -> memref<200x32xf32, #tpu.memory_space<hbm>>
      %dma_start3A_139 = arith.constant 0 : i32
      %dma_start3A_140 = arith.constant 0 : i32
      %dma_start3A_141 = tpu.memref_slice %arg4[%add3A_131, %dma_start3A_139, %dma_start3A_140] : memref<4096x200x32xf32, #tpu.memory_space<hbm>> -> memref<1x200x32xf32, #tpu.memory_space<hbm>>
      %dma_start3A_142 = tpu.memref_squeeze %dma_start3A_141 : memref<1x200x32xf32, #tpu.memory_space<hbm>> -> memref<200x32xf32, #tpu.memory_space<hbm>>
      %dma_start3A_143 = arith.constant 1400 : i32
      %dma_start3A_144 = arith.constant 0 : i32
      %dma_start3A_145 = tpu.memref_slice %arg6[%dma_start3A_143, %dma_start3A_144] : memref<3200x32xf32, #tpu.memory_space<vmem>> -> memref<200x32xf32, #tpu.memory_space<vmem>>
      tpu.enqueue_dma source(%dma_start3A_145 : memref<200x32xf32, #tpu.memory_space<vmem>>) target(%dma_start3A_142 : memref<200x32xf32, #tpu.memory_space<hbm>>) target_semaphore(%arg8 : memref<!tpu.dma_semaphore, #tpu.memory_space<semaphore_mem>>)
      %add3A_146 = arith.constant 8 : i32
      %add3A_147 = arith.addi %add3A_11, %add3A_146 : i32
      %dma_start3A_148 = arith.constant 1600 : i32
      %dma_start3A_149 = arith.constant 0 : i32
      %dma_start3A_150 = tpu.memref_slice %arg6[%dma_start3A_148, %dma_start3A_149] : memref<3200x32xf32, #tpu.memory_space<vmem>> -> memref<200x32xf32, #tpu.memory_space<vmem>>
      %dma_start3A_151 = arith.constant 0 : i32
      %dma_start3A_152 = arith.constant 0 : i32
      %dma_start3A_153 = tpu.memref_slice %arg4[%add3A_147, %dma_start3A_151, %dma_start3A_152] : memref<4096x200x32xf32, #tpu.memory_space<hbm>> -> memref<1x200x32xf32, #tpu.memory_space<hbm>>
      %dma_start3A_154 = tpu.memref_squeeze %dma_start3A_153 : memref<1x200x32xf32, #tpu.memory_space<hbm>> -> memref<200x32xf32, #tpu.memory_space<hbm>>
      %dma_start3A_155 = arith.constant 0 : i32
      %dma_start3A_156 = arith.constant 0 : i32
      %dma_start3A_157 = tpu.memref_slice %arg4[%add3A_147, %dma_start3A_155, %dma_start3A_156] : memref<4096x200x32xf32, #tpu.memory_space<hbm>> -> memref<1x200x32xf32, #tpu.memory_space<hbm>>
      %dma_start3A_158 = tpu.memref_squeeze %dma_start3A_157 : memref<1x200x32xf32, #tpu.memory_space<hbm>> -> memref<200x32xf32, #tpu.memory_space<hbm>>
      %dma_start3A_159 = arith.constant 1600 : i32
      %dma_start3A_160 = arith.constant 0 : i32
      %dma_start3A_161 = tpu.memref_slice %arg6[%dma_start3A_159, %dma_start3A_160] : memref<3200x32xf32, #tpu.memory_space<vmem>> -> memref<200x32xf32, #tpu.memory_space<vmem>>
      tpu.enqueue_dma source(%dma_start3A_161 : memref<200x32xf32, #tpu.memory_space<vmem>>) target(%dma_start3A_158 : memref<200x32xf32, #tpu.memory_space<hbm>>) target_semaphore(%arg8 : memref<!tpu.dma_semaphore, #tpu.memory_space<semaphore_mem>>)
      %add3A_162 = arith.constant 9 : i32
      %add3A_163 = arith.addi %add3A_11, %add3A_162 : i32
      %dma_start3A_164 = arith.constant 1800 : i32
      %dma_start3A_165 = arith.constant 0 : i32
      %dma_start3A_166 = tpu.memref_slice %arg6[%dma_start3A_164, %dma_start3A_165] : memref<3200x32xf32, #tpu.memory_space<vmem>> -> memref<200x32xf32, #tpu.memory_space<vmem>>
      %dma_start3A_167 = arith.constant 0 : i32
      %dma_start3A_168 = arith.constant 0 : i32
      %dma_start3A_169 = tpu.memref_slice %arg4[%add3A_163, %dma_start3A_167, %dma_start3A_168] : memref<4096x200x32xf32, #tpu.memory_space<hbm>> -> memref<1x200x32xf32, #tpu.memory_space<hbm>>
      %dma_start3A_170 = tpu.memref_squeeze %dma_start3A_169 : memref<1x200x32xf32, #tpu.memory_space<hbm>> -> memref<200x32xf32, #tpu.memory_space<hbm>>
      %dma_start3A_171 = arith.constant 0 : i32
      %dma_start3A_172 = arith.constant 0 : i32
      %dma_start3A_173 = tpu.memref_slice %arg4[%add3A_163, %dma_start3A_171, %dma_start3A_172] : memref<4096x200x32xf32, #tpu.memory_space<hbm>> -> memref<1x200x32xf32, #tpu.memory_space<hbm>>
      %dma_start3A_174 = tpu.memref_squeeze %dma_start3A_173 : memref<1x200x32xf32, #tpu.memory_space<hbm>> -> memref<200x32xf32, #tpu.memory_space<hbm>>
      %dma_start3A_175 = arith.constant 1800 : i32
      %dma_start3A_176 = arith.constant 0 : i32
      %dma_start3A_177 = tpu.memref_slice %arg6[%dma_start3A_175, %dma_start3A_176] : memref<3200x32xf32, #tpu.memory_space<vmem>> -> memref<200x32xf32, #tpu.memory_space<vmem>>
      tpu.enqueue_dma source(%dma_start3A_177 : memref<200x32xf32, #tpu.memory_space<vmem>>) target(%dma_start3A_174 : memref<200x32xf32, #tpu.memory_space<hbm>>) target_semaphore(%arg8 : memref<!tpu.dma_semaphore, #tpu.memory_space<semaphore_mem>>)
      %add3A_178 = arith.constant 10 : i32
      %add3A_179 = arith.addi %add3A_11, %add3A_178 : i32
      %dma_start3A_180 = arith.constant 2000 : i32
      %dma_start3A_181 = arith.constant 0 : i32
      %dma_start3A_182 = tpu.memref_slice %arg6[%dma_start3A_180, %dma_start3A_181] : memref<3200x32xf32, #tpu.memory_space<vmem>> -> memref<200x32xf32, #tpu.memory_space<vmem>>
      %dma_start3A_183 = arith.constant 0 : i32
      %dma_start3A_184 = arith.constant 0 : i32
      %dma_start3A_185 = tpu.memref_slice %arg4[%add3A_179, %dma_start3A_183, %dma_start3A_184] : memref<4096x200x32xf32, #tpu.memory_space<hbm>> -> memref<1x200x32xf32, #tpu.memory_space<hbm>>
      %dma_start3A_186 = tpu.memref_squeeze %dma_start3A_185 : memref<1x200x32xf32, #tpu.memory_space<hbm>> -> memref<200x32xf32, #tpu.memory_space<hbm>>
      %dma_start3A_187 = arith.constant 0 : i32
      %dma_start3A_188 = arith.constant 0 : i32
      %dma_start3A_189 = tpu.memref_slice %arg4[%add3A_179, %dma_start3A_187, %dma_start3A_188] : memref<4096x200x32xf32, #tpu.memory_space<hbm>> -> memref<1x200x32xf32, #tpu.memory_space<hbm>>
      %dma_start3A_190 = tpu.memref_squeeze %dma_start3A_189 : memref<1x200x32xf32, #tpu.memory_space<hbm>> -> memref<200x32xf32, #tpu.memory_space<hbm>>
      %dma_start3A_191 = arith.constant 2000 : i32
      %dma_start3A_192 = arith.constant 0 : i32
      %dma_start3A_193 = tpu.memref_slice %arg6[%dma_start3A_191, %dma_start3A_192] : memref<3200x32xf32, #tpu.memory_space<vmem>> -> memref<200x32xf32, #tpu.memory_space<vmem>>
      tpu.enqueue_dma source(%dma_start3A_193 : memref<200x32xf32, #tpu.memory_space<vmem>>) target(%dma_start3A_190 : memref<200x32xf32, #tpu.memory_space<hbm>>) target_semaphore(%arg8 : memref<!tpu.dma_semaphore, #tpu.memory_space<semaphore_mem>>)
      %add3A_194 = arith.constant 11 : i32
      %add3A_195 = arith.addi %add3A_11, %add3A_194 : i32
      %dma_start3A_196 = arith.constant 2200 : i32
      %dma_start3A_197 = arith.constant 0 : i32
      %dma_start3A_198 = tpu.memref_slice %arg6[%dma_start3A_196, %dma_start3A_197] : memref<3200x32xf32, #tpu.memory_space<vmem>> -> memref<200x32xf32, #tpu.memory_space<vmem>>
      %dma_start3A_199 = arith.constant 0 : i32
      %dma_start3A_200 = arith.constant 0 : i32
      %dma_start3A_201 = tpu.memref_slice %arg4[%add3A_195, %dma_start3A_199, %dma_start3A_200] : memref<4096x200x32xf32, #tpu.memory_space<hbm>> -> memref<1x200x32xf32, #tpu.memory_space<hbm>>
      %dma_start3A_202 = tpu.memref_squeeze %dma_start3A_201 : memref<1x200x32xf32, #tpu.memory_space<hbm>> -> memref<200x32xf32, #tpu.memory_space<hbm>>
      %dma_start3A_203 = arith.constant 0 : i32
      %dma_start3A_204 = arith.constant 0 : i32
      %dma_start3A_205 = tpu.memref_slice %arg4[%add3A_195, %dma_start3A_203, %dma_start3A_204] : memref<4096x200x32xf32, #tpu.memory_space<hbm>> -> memref<1x200x32xf32, #tpu.memory_space<hbm>>
      %dma_start3A_206 = tpu.memref_squeeze %dma_start3A_205 : memref<1x200x32xf32, #tpu.memory_space<hbm>> -> memref<200x32xf32, #tpu.memory_space<hbm>>
      %dma_start3A_207 = arith.constant 2200 : i32
      %dma_start3A_208 = arith.constant 0 : i32
      %dma_start3A_209 = tpu.memref_slice %arg6[%dma_start3A_207, %dma_start3A_208] : memref<3200x32xf32, #tpu.memory_space<vmem>> -> memref<200x32xf32, #tpu.memory_space<vmem>>
      tpu.enqueue_dma source(%dma_start3A_209 : memref<200x32xf32, #tpu.memory_space<vmem>>) target(%dma_start3A_206 : memref<200x32xf32, #tpu.memory_space<hbm>>) target_semaphore(%arg8 : memref<!tpu.dma_semaphore, #tpu.memory_space<semaphore_mem>>)
      %add3A_210 = arith.constant 12 : i32
      %add3A_211 = arith.addi %add3A_11, %add3A_210 : i32
      %dma_start3A_212 = arith.constant 2400 : i32
      %dma_start3A_213 = arith.constant 0 : i32
      %dma_start3A_214 = tpu.memref_slice %arg6[%dma_start3A_212, %dma_start3A_213] : memref<3200x32xf32, #tpu.memory_space<vmem>> -> memref<200x32xf32, #tpu.memory_space<vmem>>
      %dma_start3A_215 = arith.constant 0 : i32
      %dma_start3A_216 = arith.constant 0 : i32
      %dma_start3A_217 = tpu.memref_slice %arg4[%add3A_211, %dma_start3A_215, %dma_start3A_216] : memref<4096x200x32xf32, #tpu.memory_space<hbm>> -> memref<1x200x32xf32, #tpu.memory_space<hbm>>
      %dma_start3A_218 = tpu.memref_squeeze %dma_start3A_217 : memref<1x200x32xf32, #tpu.memory_space<hbm>> -> memref<200x32xf32, #tpu.memory_space<hbm>>
      %dma_start3A_219 = arith.constant 0 : i32
      %dma_start3A_220 = arith.constant 0 : i32
      %dma_start3A_221 = tpu.memref_slice %arg4[%add3A_211, %dma_start3A_219, %dma_start3A_220] : memref<4096x200x32xf32, #tpu.memory_space<hbm>> -> memref<1x200x32xf32, #tpu.memory_space<hbm>>
      %dma_start3A_222 = tpu.memref_squeeze %dma_start3A_221 : memref<1x200x32xf32, #tpu.memory_space<hbm>> -> memref<200x32xf32, #tpu.memory_space<hbm>>
      %dma_start3A_223 = arith.constant 2400 : i32
      %dma_start3A_224 = arith.constant 0 : i32
      %dma_start3A_225 = tpu.memref_slice %arg6[%dma_start3A_223, %dma_start3A_224] : memref<3200x32xf32, #tpu.memory_space<vmem>> -> memref<200x32xf32, #tpu.memory_space<vmem>>
      tpu.enqueue_dma source(%dma_start3A_225 : memref<200x32xf32, #tpu.memory_space<vmem>>) target(%dma_start3A_222 : memref<200x32xf32, #tpu.memory_space<hbm>>) target_semaphore(%arg8 : memref<!tpu.dma_semaphore, #tpu.memory_space<semaphore_mem>>)
      %add3A_226 = arith.constant 13 : i32
      %add3A_227 = arith.addi %add3A_11, %add3A_226 : i32
      %dma_start3A_228 = arith.constant 2600 : i32
      %dma_start3A_229 = arith.constant 0 : i32
      %dma_start3A_230 = tpu.memref_slice %arg6[%dma_start3A_228, %dma_start3A_229] : memref<3200x32xf32, #tpu.memory_space<vmem>> -> memref<200x32xf32, #tpu.memory_space<vmem>>
      %dma_start3A_231 = arith.constant 0 : i32
      %dma_start3A_232 = arith.constant 0 : i32
      %dma_start3A_233 = tpu.memref_slice %arg4[%add3A_227, %dma_start3A_231, %dma_start3A_232] : memref<4096x200x32xf32, #tpu.memory_space<hbm>> -> memref<1x200x32xf32, #tpu.memory_space<hbm>>
      %dma_start3A_234 = tpu.memref_squeeze %dma_start3A_233 : memref<1x200x32xf32, #tpu.memory_space<hbm>> -> memref<200x32xf32, #tpu.memory_space<hbm>>
      %dma_start3A_235 = arith.constant 0 : i32
      %dma_start3A_236 = arith.constant 0 : i32
      %dma_start3A_237 = tpu.memref_slice %arg4[%add3A_227, %dma_start3A_235, %dma_start3A_236] : memref<4096x200x32xf32, #tpu.memory_space<hbm>> -> memref<1x200x32xf32, #tpu.memory_space<hbm>>
      %dma_start3A_238 = tpu.memref_squeeze %dma_start3A_237 : memref<1x200x32xf32, #tpu.memory_space<hbm>> -> memref<200x32xf32, #tpu.memory_space<hbm>>
      %dma_start3A_239 = arith.constant 2600 : i32
      %dma_start3A_240 = arith.constant 0 : i32
      %dma_start3A_241 = tpu.memref_slice %arg6[%dma_start3A_239, %dma_start3A_240] : memref<3200x32xf32, #tpu.memory_space<vmem>> -> memref<200x32xf32, #tpu.memory_space<vmem>>
      tpu.enqueue_dma source(%dma_start3A_241 : memref<200x32xf32, #tpu.memory_space<vmem>>) target(%dma_start3A_238 : memref<200x32xf32, #tpu.memory_space<hbm>>) target_semaphore(%arg8 : memref<!tpu.dma_semaphore, #tpu.memory_space<semaphore_mem>>)
      %add3A_242 = arith.constant 14 : i32
      %add3A_243 = arith.addi %add3A_11, %add3A_242 : i32
      %dma_start3A_244 = arith.constant 2800 : i32
      %dma_start3A_245 = arith.constant 0 : i32
      %dma_start3A_246 = tpu.memref_slice %arg6[%dma_start3A_244, %dma_start3A_245] : memref<3200x32xf32, #tpu.memory_space<vmem>> -> memref<200x32xf32, #tpu.memory_space<vmem>>
      %dma_start3A_247 = arith.constant 0 : i32
      %dma_start3A_248 = arith.constant 0 : i32
      %dma_start3A_249 = tpu.memref_slice %arg4[%add3A_243, %dma_start3A_247, %dma_start3A_248] : memref<4096x200x32xf32, #tpu.memory_space<hbm>> -> memref<1x200x32xf32, #tpu.memory_space<hbm>>
      %dma_start3A_250 = tpu.memref_squeeze %dma_start3A_249 : memref<1x200x32xf32, #tpu.memory_space<hbm>> -> memref<200x32xf32, #tpu.memory_space<hbm>>
      %dma_start3A_251 = arith.constant 0 : i32
      %dma_start3A_252 = arith.constant 0 : i32
      %dma_start3A_253 = tpu.memref_slice %arg4[%add3A_243, %dma_start3A_251, %dma_start3A_252] : memref<4096x200x32xf32, #tpu.memory_space<hbm>> -> memref<1x200x32xf32, #tpu.memory_space<hbm>>
      %dma_start3A_254 = tpu.memref_squeeze %dma_start3A_253 : memref<1x200x32xf32, #tpu.memory_space<hbm>> -> memref<200x32xf32, #tpu.memory_space<hbm>>
      %dma_start3A_255 = arith.constant 2800 : i32
      %dma_start3A_256 = arith.constant 0 : i32
      %dma_start3A_257 = tpu.memref_slice %arg6[%dma_start3A_255, %dma_start3A_256] : memref<3200x32xf32, #tpu.memory_space<vmem>> -> memref<200x32xf32, #tpu.memory_space<vmem>>
      tpu.enqueue_dma source(%dma_start3A_257 : memref<200x32xf32, #tpu.memory_space<vmem>>) target(%dma_start3A_254 : memref<200x32xf32, #tpu.memory_space<hbm>>) target_semaphore(%arg8 : memref<!tpu.dma_semaphore, #tpu.memory_space<semaphore_mem>>)
      %add3A_258 = arith.constant 15 : i32
      %add3A_259 = arith.addi %add3A_11, %add3A_258 : i32
      %dma_start3A_260 = arith.constant 3000 : i32
      %dma_start3A_261 = arith.constant 0 : i32
      %dma_start3A_262 = tpu.memref_slice %arg6[%dma_start3A_260, %dma_start3A_261] : memref<3200x32xf32, #tpu.memory_space<vmem>> -> memref<200x32xf32, #tpu.memory_space<vmem>>
      %dma_start3A_263 = arith.constant 0 : i32
      %dma_start3A_264 = arith.constant 0 : i32
      %dma_start3A_265 = tpu.memref_slice %arg4[%add3A_259, %dma_start3A_263, %dma_start3A_264] : memref<4096x200x32xf32, #tpu.memory_space<hbm>> -> memref<1x200x32xf32, #tpu.memory_space<hbm>>
      %dma_start3A_266 = tpu.memref_squeeze %dma_start3A_265 : memref<1x200x32xf32, #tpu.memory_space<hbm>> -> memref<200x32xf32, #tpu.memory_space<hbm>>
      %dma_start3A_267 = arith.constant 0 : i32
      %dma_start3A_268 = arith.constant 0 : i32
      %dma_start3A_269 = tpu.memref_slice %arg4[%add3A_259, %dma_start3A_267, %dma_start3A_268] : memref<4096x200x32xf32, #tpu.memory_space<hbm>> -> memref<1x200x32xf32, #tpu.memory_space<hbm>>
      %dma_start3A_270 = tpu.memref_squeeze %dma_start3A_269 : memref<1x200x32xf32, #tpu.memory_space<hbm>> -> memref<200x32xf32, #tpu.memory_space<hbm>>
      %dma_start3A_271 = arith.constant 3000 : i32
      %dma_start3A_272 = arith.constant 0 : i32
      %dma_start3A_273 = tpu.memref_slice %arg6[%dma_start3A_271, %dma_start3A_272] : memref<3200x32xf32, #tpu.memory_space<vmem>> -> memref<200x32xf32, #tpu.memory_space<vmem>>
      tpu.enqueue_dma source(%dma_start3A_273 : memref<200x32xf32, #tpu.memory_space<vmem>>) target(%dma_start3A_270 : memref<200x32xf32, #tpu.memory_space<hbm>>) target_semaphore(%arg8 : memref<!tpu.dma_semaphore, #tpu.memory_space<semaphore_mem>>)
      %dma_wait3A_274 = arith.constant 0 : i32
      %dma_wait3A_275 = arith.constant 0 : i32
      %dma_wait3A_276 = tpu.memref_slice %arg6[%dma_wait3A_274, %dma_wait3A_275] : memref<3200x32xf32, #tpu.memory_space<vmem>> -> memref<200x32xf32, #tpu.memory_space<vmem>>
      %dma_wait3A_277 = arith.constant 0 : i32
      %dma_wait3A_278 = arith.constant 0 : i32
      %dma_wait3A_279 = tpu.memref_slice %arg4[%add3A_19, %dma_wait3A_277, %dma_wait3A_278] : memref<4096x200x32xf32, #tpu.memory_space<hbm>> -> memref<1x200x32xf32, #tpu.memory_space<hbm>>
      %dma_wait3A_280 = tpu.memref_squeeze %dma_wait3A_279 : memref<1x200x32xf32, #tpu.memory_space<hbm>> -> memref<200x32xf32, #tpu.memory_space<hbm>>
      %dma_wait3A_281 = arith.constant 0 : i32
      %dma_wait3A_282 = arith.constant 0 : i32
      %dma_wait3A_283 = tpu.memref_slice %arg4[%add3A_19, %dma_wait3A_281, %dma_wait3A_282] : memref<4096x200x32xf32, #tpu.memory_space<hbm>> -> memref<1x200x32xf32, #tpu.memory_space<hbm>>
      %dma_wait3A_284 = tpu.memref_squeeze %dma_wait3A_283 : memref<1x200x32xf32, #tpu.memory_space<hbm>> -> memref<200x32xf32, #tpu.memory_space<hbm>>
      %dma_wait3A_285 = arith.constant 0 : i32
      %dma_wait3A_286 = arith.constant 0 : i32
      %dma_wait3A_287 = tpu.memref_slice %arg6[%dma_wait3A_285, %dma_wait3A_286] : memref<3200x32xf32, #tpu.memory_space<vmem>> -> memref<200x32xf32, #tpu.memory_space<vmem>>
      tpu.wait_dma2 semaphore(%arg8 : memref<!tpu.dma_semaphore, #tpu.memory_space<semaphore_mem>>) src(%dma_wait3A_287 : memref<200x32xf32, #tpu.memory_space<vmem>>) dst(%dma_wait3A_284 : memref<200x32xf32, #tpu.memory_space<hbm>>)
      %dma_wait3A_288 = arith.constant 200 : i32
      %dma_wait3A_289 = arith.constant 0 : i32
      %dma_wait3A_290 = tpu.memref_slice %arg6[%dma_wait3A_288, %dma_wait3A_289] : memref<3200x32xf32, #tpu.memory_space<vmem>> -> memref<200x32xf32, #tpu.memory_space<vmem>>
      %dma_wait3A_291 = arith.constant 0 : i32
      %dma_wait3A_292 = arith.constant 0 : i32
      %dma_wait3A_293 = tpu.memref_slice %arg4[%add3A_35, %dma_wait3A_291, %dma_wait3A_292] : memref<4096x200x32xf32, #tpu.memory_space<hbm>> -> memref<1x200x32xf32, #tpu.memory_space<hbm>>
      %dma_wait3A_294 = tpu.memref_squeeze %dma_wait3A_293 : memref<1x200x32xf32, #tpu.memory_space<hbm>> -> memref<200x32xf32, #tpu.memory_space<hbm>>
      %dma_wait3A_295 = arith.constant 0 : i32
      %dma_wait3A_296 = arith.constant 0 : i32
      %dma_wait3A_297 = tpu.memref_slice %arg4[%add3A_35, %dma_wait3A_295, %dma_wait3A_296] : memref<4096x200x32xf32, #tpu.memory_space<hbm>> -> memref<1x200x32xf32, #tpu.memory_space<hbm>>
      %dma_wait3A_298 = tpu.memref_squeeze %dma_wait3A_297 : memref<1x200x32xf32, #tpu.memory_space<hbm>> -> memref<200x32xf32, #tpu.memory_space<hbm>>
      %dma_wait3A_299 = arith.constant 200 : i32
      %dma_wait3A_300 = arith.constant 0 : i32
      %dma_wait3A_301 = tpu.memref_slice %arg6[%dma_wait3A_299, %dma_wait3A_300] : memref<3200x32xf32, #tpu.memory_space<vmem>> -> memref<200x32xf32, #tpu.memory_space<vmem>>
      tpu.wait_dma2 semaphore(%arg8 : memref<!tpu.dma_semaphore, #tpu.memory_space<semaphore_mem>>) src(%dma_wait3A_301 : memref<200x32xf32, #tpu.memory_space<vmem>>) dst(%dma_wait3A_298 : memref<200x32xf32, #tpu.memory_space<hbm>>)
      %dma_wait3A_302 = arith.constant 400 : i32
      %dma_wait3A_303 = arith.constant 0 : i32
      %dma_wait3A_304 = tpu.memref_slice %arg6[%dma_wait3A_302, %dma_wait3A_303] : memref<3200x32xf32, #tpu.memory_space<vmem>> -> memref<200x32xf32, #tpu.memory_space<vmem>>
      %dma_wait3A_305 = arith.constant 0 : i32
      %dma_wait3A_306 = arith.constant 0 : i32
      %dma_wait3A_307 = tpu.memref_slice %arg4[%add3A_51, %dma_wait3A_305, %dma_wait3A_306] : memref<4096x200x32xf32, #tpu.memory_space<hbm>> -> memref<1x200x32xf32, #tpu.memory_space<hbm>>
      %dma_wait3A_308 = tpu.memref_squeeze %dma_wait3A_307 : memref<1x200x32xf32, #tpu.memory_space<hbm>> -> memref<200x32xf32, #tpu.memory_space<hbm>>
      %dma_wait3A_309 = arith.constant 0 : i32
      %dma_wait3A_310 = arith.constant 0 : i32
      %dma_wait3A_311 = tpu.memref_slice %arg4[%add3A_51, %dma_wait3A_309, %dma_wait3A_310] : memref<4096x200x32xf32, #tpu.memory_space<hbm>> -> memref<1x200x32xf32, #tpu.memory_space<hbm>>
      %dma_wait3A_312 = tpu.memref_squeeze %dma_wait3A_311 : memref<1x200x32xf32, #tpu.memory_space<hbm>> -> memref<200x32xf32, #tpu.memory_space<hbm>>
      %dma_wait3A_313 = arith.constant 400 : i32
      %dma_wait3A_314 = arith.constant 0 : i32
      %dma_wait3A_315 = tpu.memref_slice %arg6[%dma_wait3A_313, %dma_wait3A_314] : memref<3200x32xf32, #tpu.memory_space<vmem>> -> memref<200x32xf32, #tpu.memory_space<vmem>>
      tpu.wait_dma2 semaphore(%arg8 : memref<!tpu.dma_semaphore, #tpu.memory_space<semaphore_mem>>) src(%dma_wait3A_315 : memref<200x32xf32, #tpu.memory_space<vmem>>) dst(%dma_wait3A_312 : memref<200x32xf32, #tpu.memory_space<hbm>>)
      %dma_wait3A_316 = arith.constant 600 : i32
      %dma_wait3A_317 = arith.constant 0 : i32
      %dma_wait3A_318 = tpu.memref_slice %arg6[%dma_wait3A_316, %dma_wait3A_317] : memref<3200x32xf32, #tpu.memory_space<vmem>> -> memref<200x32xf32, #tpu.memory_space<vmem>>
      %dma_wait3A_319 = arith.constant 0 : i32
      %dma_wait3A_320 = arith.constant 0 : i32
      %dma_wait3A_321 = tpu.memref_slice %arg4[%add3A_67, %dma_wait3A_319, %dma_wait3A_320] : memref<4096x200x32xf32, #tpu.memory_space<hbm>> -> memref<1x200x32xf32, #tpu.memory_space<hbm>>
      %dma_wait3A_322 = tpu.memref_squeeze %dma_wait3A_321 : memref<1x200x32xf32, #tpu.memory_space<hbm>> -> memref<200x32xf32, #tpu.memory_space<hbm>>
      %dma_wait3A_323 = arith.constant 0 : i32
      %dma_wait3A_324 = arith.constant 0 : i32
      %dma_wait3A_325 = tpu.memref_slice %arg4[%add3A_67, %dma_wait3A_323, %dma_wait3A_324] : memref<4096x200x32xf32, #tpu.memory_space<hbm>> -> memref<1x200x32xf32, #tpu.memory_space<hbm>>
      %dma_wait3A_326 = tpu.memref_squeeze %dma_wait3A_325 : memref<1x200x32xf32, #tpu.memory_space<hbm>> -> memref<200x32xf32, #tpu.memory_space<hbm>>
      %dma_wait3A_327 = arith.constant 600 : i32
      %dma_wait3A_328 = arith.constant 0 : i32
      %dma_wait3A_329 = tpu.memref_slice %arg6[%dma_wait3A_327, %dma_wait3A_328] : memref<3200x32xf32, #tpu.memory_space<vmem>> -> memref<200x32xf32, #tpu.memory_space<vmem>>
      tpu.wait_dma2 semaphore(%arg8 : memref<!tpu.dma_semaphore, #tpu.memory_space<semaphore_mem>>) src(%dma_wait3A_329 : memref<200x32xf32, #tpu.memory_space<vmem>>) dst(%dma_wait3A_326 : memref<200x32xf32, #tpu.memory_space<hbm>>)
      %dma_wait3A_330 = arith.constant 800 : i32
      %dma_wait3A_331 = arith.constant 0 : i32
      %dma_wait3A_332 = tpu.memref_slice %arg6[%dma_wait3A_330, %dma_wait3A_331] : memref<3200x32xf32, #tpu.memory_space<vmem>> -> memref<200x32xf32, #tpu.memory_space<vmem>>
      %dma_wait3A_333 = arith.constant 0 : i32
      %dma_wait3A_334 = arith.constant 0 : i32
      %dma_wait3A_335 = tpu.memref_slice %arg4[%add3A_83, %dma_wait3A_333, %dma_wait3A_334] : memref<4096x200x32xf32, #tpu.memory_space<hbm>> -> memref<1x200x32xf32, #tpu.memory_space<hbm>>
      %dma_wait3A_336 = tpu.memref_squeeze %dma_wait3A_335 : memref<1x200x32xf32, #tpu.memory_space<hbm>> -> memref<200x32xf32, #tpu.memory_space<hbm>>
      %dma_wait3A_337 = arith.constant 0 : i32
      %dma_wait3A_338 = arith.constant 0 : i32
      %dma_wait3A_339 = tpu.memref_slice %arg4[%add3A_83, %dma_wait3A_337, %dma_wait3A_338] : memref<4096x200x32xf32, #tpu.memory_space<hbm>> -> memref<1x200x32xf32, #tpu.memory_space<hbm>>
      %dma_wait3A_340 = tpu.memref_squeeze %dma_wait3A_339 : memref<1x200x32xf32, #tpu.memory_space<hbm>> -> memref<200x32xf32, #tpu.memory_space<hbm>>
      %dma_wait3A_341 = arith.constant 800 : i32
      %dma_wait3A_342 = arith.constant 0 : i32
      %dma_wait3A_343 = tpu.memref_slice %arg6[%dma_wait3A_341, %dma_wait3A_342] : memref<3200x32xf32, #tpu.memory_space<vmem>> -> memref<200x32xf32, #tpu.memory_space<vmem>>
      tpu.wait_dma2 semaphore(%arg8 : memref<!tpu.dma_semaphore, #tpu.memory_space<semaphore_mem>>) src(%dma_wait3A_343 : memref<200x32xf32, #tpu.memory_space<vmem>>) dst(%dma_wait3A_340 : memref<200x32xf32, #tpu.memory_space<hbm>>)
      %dma_wait3A_344 = arith.constant 1000 : i32
      %dma_wait3A_345 = arith.constant 0 : i32
      %dma_wait3A_346 = tpu.memref_slice %arg6[%dma_wait3A_344, %dma_wait3A_345] : memref<3200x32xf32, #tpu.memory_space<vmem>> -> memref<200x32xf32, #tpu.memory_space<vmem>>
      %dma_wait3A_347 = arith.constant 0 : i32
      %dma_wait3A_348 = arith.constant 0 : i32
      %dma_wait3A_349 = tpu.memref_slice %arg4[%add3A_99, %dma_wait3A_347, %dma_wait3A_348] : memref<4096x200x32xf32, #tpu.memory_space<hbm>> -> memref<1x200x32xf32, #tpu.memory_space<hbm>>
      %dma_wait3A_350 = tpu.memref_squeeze %dma_wait3A_349 : memref<1x200x32xf32, #tpu.memory_space<hbm>> -> memref<200x32xf32, #tpu.memory_space<hbm>>
      %dma_wait3A_351 = arith.constant 0 : i32
      %dma_wait3A_352 = arith.constant 0 : i32
      %dma_wait3A_353 = tpu.memref_slice %arg4[%add3A_99, %dma_wait3A_351, %dma_wait3A_352] : memref<4096x200x32xf32, #tpu.memory_space<hbm>> -> memref<1x200x32xf32, #tpu.memory_space<hbm>>
      %dma_wait3A_354 = tpu.memref_squeeze %dma_wait3A_353 : memref<1x200x32xf32, #tpu.memory_space<hbm>> -> memref<200x32xf32, #tpu.memory_space<hbm>>
      %dma_wait3A_355 = arith.constant 1000 : i32
      %dma_wait3A_356 = arith.constant 0 : i32
      %dma_wait3A_357 = tpu.memref_slice %arg6[%dma_wait3A_355, %dma_wait3A_356] : memref<3200x32xf32, #tpu.memory_space<vmem>> -> memref<200x32xf32, #tpu.memory_space<vmem>>
      tpu.wait_dma2 semaphore(%arg8 : memref<!tpu.dma_semaphore, #tpu.memory_space<semaphore_mem>>) src(%dma_wait3A_357 : memref<200x32xf32, #tpu.memory_space<vmem>>) dst(%dma_wait3A_354 : memref<200x32xf32, #tpu.memory_space<hbm>>)
      %dma_wait3A_358 = arith.constant 1200 : i32
      %dma_wait3A_359 = arith.constant 0 : i32
      %dma_wait3A_360 = tpu.memref_slice %arg6[%dma_wait3A_358, %dma_wait3A_359] : memref<3200x32xf32, #tpu.memory_space<vmem>> -> memref<200x32xf32, #tpu.memory_space<vmem>>
      %dma_wait3A_361 = arith.constant 0 : i32
      %dma_wait3A_362 = arith.constant 0 : i32
      %dma_wait3A_363 = tpu.memref_slice %arg4[%add3A_115, %dma_wait3A_361, %dma_wait3A_362] : memref<4096x200x32xf32, #tpu.memory_space<hbm>> -> memref<1x200x32xf32, #tpu.memory_space<hbm>>
      %dma_wait3A_364 = tpu.memref_squeeze %dma_wait3A_363 : memref<1x200x32xf32, #tpu.memory_space<hbm>> -> memref<200x32xf32, #tpu.memory_space<hbm>>
      %dma_wait3A_365 = arith.constant 0 : i32
      %dma_wait3A_366 = arith.constant 0 : i32
      %dma_wait3A_367 = tpu.memref_slice %arg4[%add3A_115, %dma_wait3A_365, %dma_wait3A_366] : memref<4096x200x32xf32, #tpu.memory_space<hbm>> -> memref<1x200x32xf32, #tpu.memory_space<hbm>>
      %dma_wait3A_368 = tpu.memref_squeeze %dma_wait3A_367 : memref<1x200x32xf32, #tpu.memory_space<hbm>> -> memref<200x32xf32, #tpu.memory_space<hbm>>
      %dma_wait3A_369 = arith.constant 1200 : i32
      %dma_wait3A_370 = arith.constant 0 : i32
      %dma_wait3A_371 = tpu.memref_slice %arg6[%dma_wait3A_369, %dma_wait3A_370] : memref<3200x32xf32, #tpu.memory_space<vmem>> -> memref<200x32xf32, #tpu.memory_space<vmem>>
      tpu.wait_dma2 semaphore(%arg8 : memref<!tpu.dma_semaphore, #tpu.memory_space<semaphore_mem>>) src(%dma_wait3A_371 : memref<200x32xf32, #tpu.memory_space<vmem>>) dst(%dma_wait3A_368 : memref<200x32xf32, #tpu.memory_space<hbm>>)
      %dma_wait3A_372 = arith.constant 1400 : i32
      %dma_wait3A_373 = arith.constant 0 : i32
      %dma_wait3A_374 = tpu.memref_slice %arg6[%dma_wait3A_372, %dma_wait3A_373] : memref<3200x32xf32, #tpu.memory_space<vmem>> -> memref<200x32xf32, #tpu.memory_space<vmem>>
      %dma_wait3A_375 = arith.constant 0 : i32
      %dma_wait3A_376 = arith.constant 0 : i32
      %dma_wait3A_377 = tpu.memref_slice %arg4[%add3A_131, %dma_wait3A_375, %dma_wait3A_376] : memref<4096x200x32xf32, #tpu.memory_space<hbm>> -> memref<1x200x32xf32, #tpu.memory_space<hbm>>
      %dma_wait3A_378 = tpu.memref_squeeze %dma_wait3A_377 : memref<1x200x32xf32, #tpu.memory_space<hbm>> -> memref<200x32xf32, #tpu.memory_space<hbm>>
      %dma_wait3A_379 = arith.constant 0 : i32
      %dma_wait3A_380 = arith.constant 0 : i32
      %dma_wait3A_381 = tpu.memref_slice %arg4[%add3A_131, %dma_wait3A_379, %dma_wait3A_380] : memref<4096x200x32xf32, #tpu.memory_space<hbm>> -> memref<1x200x32xf32, #tpu.memory_space<hbm>>
      %dma_wait3A_382 = tpu.memref_squeeze %dma_wait3A_381 : memref<1x200x32xf32, #tpu.memory_space<hbm>> -> memref<200x32xf32, #tpu.memory_space<hbm>>
      %dma_wait3A_383 = arith.constant 1400 : i32
      %dma_wait3A_384 = arith.constant 0 : i32
      %dma_wait3A_385 = tpu.memref_slice %arg6[%dma_wait3A_383, %dma_wait3A_384] : memref<3200x32xf32, #tpu.memory_space<vmem>> -> memref<200x32xf32, #tpu.memory_space<vmem>>
      tpu.wait_dma2 semaphore(%arg8 : memref<!tpu.dma_semaphore, #tpu.memory_space<semaphore_mem>>) src(%dma_wait3A_385 : memref<200x32xf32, #tpu.memory_space<vmem>>) dst(%dma_wait3A_382 : memref<200x32xf32, #tpu.memory_space<hbm>>)
      %dma_wait3A_386 = arith.constant 1600 : i32
      %dma_wait3A_387 = arith.constant 0 : i32
      %dma_wait3A_388 = tpu.memref_slice %arg6[%dma_wait3A_386, %dma_wait3A_387] : memref<3200x32xf32, #tpu.memory_space<vmem>> -> memref<200x32xf32, #tpu.memory_space<vmem>>
      %dma_wait3A_389 = arith.constant 0 : i32
      %dma_wait3A_390 = arith.constant 0 : i32
      %dma_wait3A_391 = tpu.memref_slice %arg4[%add3A_147, %dma_wait3A_389, %dma_wait3A_390] : memref<4096x200x32xf32, #tpu.memory_space<hbm>> -> memref<1x200x32xf32, #tpu.memory_space<hbm>>
      %dma_wait3A_392 = tpu.memref_squeeze %dma_wait3A_391 : memref<1x200x32xf32, #tpu.memory_space<hbm>> -> memref<200x32xf32, #tpu.memory_space<hbm>>
      %dma_wait3A_393 = arith.constant 0 : i32
      %dma_wait3A_394 = arith.constant 0 : i32
      %dma_wait3A_395 = tpu.memref_slice %arg4[%add3A_147, %dma_wait3A_393, %dma_wait3A_394] : memref<4096x200x32xf32, #tpu.memory_space<hbm>> -> memref<1x200x32xf32, #tpu.memory_space<hbm>>
      %dma_wait3A_396 = tpu.memref_squeeze %dma_wait3A_395 : memref<1x200x32xf32, #tpu.memory_space<hbm>> -> memref<200x32xf32, #tpu.memory_space<hbm>>
      %dma_wait3A_397 = arith.constant 1600 : i32
      %dma_wait3A_398 = arith.constant 0 : i32
      %dma_wait3A_399 = tpu.memref_slice %arg6[%dma_wait3A_397, %dma_wait3A_398] : memref<3200x32xf32, #tpu.memory_space<vmem>> -> memref<200x32xf32, #tpu.memory_space<vmem>>
      tpu.wait_dma2 semaphore(%arg8 : memref<!tpu.dma_semaphore, #tpu.memory_space<semaphore_mem>>) src(%dma_wait3A_399 : memref<200x32xf32, #tpu.memory_space<vmem>>) dst(%dma_wait3A_396 : memref<200x32xf32, #tpu.memory_space<hbm>>)
      %dma_wait3A_400 = arith.constant 1800 : i32
      %dma_wait3A_401 = arith.constant 0 : i32
      %dma_wait3A_402 = tpu.memref_slice %arg6[%dma_wait3A_400, %dma_wait3A_401] : memref<3200x32xf32, #tpu.memory_space<vmem>> -> memref<200x32xf32, #tpu.memory_space<vmem>>
      %dma_wait3A_403 = arith.constant 0 : i32
      %dma_wait3A_404 = arith.constant 0 : i32
      %dma_wait3A_405 = tpu.memref_slice %arg4[%add3A_163, %dma_wait3A_403, %dma_wait3A_404] : memref<4096x200x32xf32, #tpu.memory_space<hbm>> -> memref<1x200x32xf32, #tpu.memory_space<hbm>>
      %dma_wait3A_406 = tpu.memref_squeeze %dma_wait3A_405 : memref<1x200x32xf32, #tpu.memory_space<hbm>> -> memref<200x32xf32, #tpu.memory_space<hbm>>
      %dma_wait3A_407 = arith.constant 0 : i32
      %dma_wait3A_408 = arith.constant 0 : i32
      %dma_wait3A_409 = tpu.memref_slice %arg4[%add3A_163, %dma_wait3A_407, %dma_wait3A_408] : memref<4096x200x32xf32, #tpu.memory_space<hbm>> -> memref<1x200x32xf32, #tpu.memory_space<hbm>>
      %dma_wait3A_410 = tpu.memref_squeeze %dma_wait3A_409 : memref<1x200x32xf32, #tpu.memory_space<hbm>> -> memref<200x32xf32, #tpu.memory_space<hbm>>
      %dma_wait3A_411 = arith.constant 1800 : i32
      %dma_wait3A_412 = arith.constant 0 : i32
      %dma_wait3A_413 = tpu.memref_slice %arg6[%dma_wait3A_411, %dma_wait3A_412] : memref<3200x32xf32, #tpu.memory_space<vmem>> -> memref<200x32xf32, #tpu.memory_space<vmem>>
      tpu.wait_dma2 semaphore(%arg8 : memref<!tpu.dma_semaphore, #tpu.memory_space<semaphore_mem>>) src(%dma_wait3A_413 : memref<200x32xf32, #tpu.memory_space<vmem>>) dst(%dma_wait3A_410 : memref<200x32xf32, #tpu.memory_space<hbm>>)
      %dma_wait3A_414 = arith.constant 2000 : i32
      %dma_wait3A_415 = arith.constant 0 : i32
      %dma_wait3A_416 = tpu.memref_slice %arg6[%dma_wait3A_414, %dma_wait3A_415] : memref<3200x32xf32, #tpu.memory_space<vmem>> -> memref<200x32xf32, #tpu.memory_space<vmem>>
      %dma_wait3A_417 = arith.constant 0 : i32
      %dma_wait3A_418 = arith.constant 0 : i32
      %dma_wait3A_419 = tpu.memref_slice %arg4[%add3A_179, %dma_wait3A_417, %dma_wait3A_418] : memref<4096x200x32xf32, #tpu.memory_space<hbm>> -> memref<1x200x32xf32, #tpu.memory_space<hbm>>
      %dma_wait3A_420 = tpu.memref_squeeze %dma_wait3A_419 : memref<1x200x32xf32, #tpu.memory_space<hbm>> -> memref<200x32xf32, #tpu.memory_space<hbm>>
      %dma_wait3A_421 = arith.constant 0 : i32
      %dma_wait3A_422 = arith.constant 0 : i32
      %dma_wait3A_423 = tpu.memref_slice %arg4[%add3A_179, %dma_wait3A_421, %dma_wait3A_422] : memref<4096x200x32xf32, #tpu.memory_space<hbm>> -> memref<1x200x32xf32, #tpu.memory_space<hbm>>
      %dma_wait3A_424 = tpu.memref_squeeze %dma_wait3A_423 : memref<1x200x32xf32, #tpu.memory_space<hbm>> -> memref<200x32xf32, #tpu.memory_space<hbm>>
      %dma_wait3A_425 = arith.constant 2000 : i32
      %dma_wait3A_426 = arith.constant 0 : i32
      %dma_wait3A_427 = tpu.memref_slice %arg6[%dma_wait3A_425, %dma_wait3A_426] : memref<3200x32xf32, #tpu.memory_space<vmem>> -> memref<200x32xf32, #tpu.memory_space<vmem>>
      tpu.wait_dma2 semaphore(%arg8 : memref<!tpu.dma_semaphore, #tpu.memory_space<semaphore_mem>>) src(%dma_wait3A_427 : memref<200x32xf32, #tpu.memory_space<vmem>>) dst(%dma_wait3A_424 : memref<200x32xf32, #tpu.memory_space<hbm>>)
      %dma_wait3A_428 = arith.constant 2200 : i32
      %dma_wait3A_429 = arith.constant 0 : i32
      %dma_wait3A_430 = tpu.memref_slice %arg6[%dma_wait3A_428, %dma_wait3A_429] : memref<3200x32xf32, #tpu.memory_space<vmem>> -> memref<200x32xf32, #tpu.memory_space<vmem>>
      %dma_wait3A_431 = arith.constant 0 : i32
      %dma_wait3A_432 = arith.constant 0 : i32
      %dma_wait3A_433 = tpu.memref_slice %arg4[%add3A_195, %dma_wait3A_431, %dma_wait3A_432] : memref<4096x200x32xf32, #tpu.memory_space<hbm>> -> memref<1x200x32xf32, #tpu.memory_space<hbm>>
      %dma_wait3A_434 = tpu.memref_squeeze %dma_wait3A_433 : memref<1x200x32xf32, #tpu.memory_space<hbm>> -> memref<200x32xf32, #tpu.memory_space<hbm>>
      %dma_wait3A_435 = arith.constant 0 : i32
      %dma_wait3A_436 = arith.constant 0 : i32
      %dma_wait3A_437 = tpu.memref_slice %arg4[%add3A_195, %dma_wait3A_435, %dma_wait3A_436] : memref<4096x200x32xf32, #tpu.memory_space<hbm>> -> memref<1x200x32xf32, #tpu.memory_space<hbm>>
      %dma_wait3A_438 = tpu.memref_squeeze %dma_wait3A_437 : memref<1x200x32xf32, #tpu.memory_space<hbm>> -> memref<200x32xf32, #tpu.memory_space<hbm>>
      %dma_wait3A_439 = arith.constant 2200 : i32
      %dma_wait3A_440 = arith.constant 0 : i32
      %dma_wait3A_441 = tpu.memref_slice %arg6[%dma_wait3A_439, %dma_wait3A_440] : memref<3200x32xf32, #tpu.memory_space<vmem>> -> memref<200x32xf32, #tpu.memory_space<vmem>>
      tpu.wait_dma2 semaphore(%arg8 : memref<!tpu.dma_semaphore, #tpu.memory_space<semaphore_mem>>) src(%dma_wait3A_441 : memref<200x32xf32, #tpu.memory_space<vmem>>) dst(%dma_wait3A_438 : memref<200x32xf32, #tpu.memory_space<hbm>>)
      %dma_wait3A_442 = arith.constant 2400 : i32
      %dma_wait3A_443 = arith.constant 0 : i32
      %dma_wait3A_444 = tpu.memref_slice %arg6[%dma_wait3A_442, %dma_wait3A_443] : memref<3200x32xf32, #tpu.memory_space<vmem>> -> memref<200x32xf32, #tpu.memory_space<vmem>>
      %dma_wait3A_445 = arith.constant 0 : i32
      %dma_wait3A_446 = arith.constant 0 : i32
      %dma_wait3A_447 = tpu.memref_slice %arg4[%add3A_211, %dma_wait3A_445, %dma_wait3A_446] : memref<4096x200x32xf32, #tpu.memory_space<hbm>> -> memref<1x200x32xf32, #tpu.memory_space<hbm>>
      %dma_wait3A_448 = tpu.memref_squeeze %dma_wait3A_447 : memref<1x200x32xf32, #tpu.memory_space<hbm>> -> memref<200x32xf32, #tpu.memory_space<hbm>>
      %dma_wait3A_449 = arith.constant 0 : i32
      %dma_wait3A_450 = arith.constant 0 : i32
      %dma_wait3A_451 = tpu.memref_slice %arg4[%add3A_211, %dma_wait3A_449, %dma_wait3A_450] : memref<4096x200x32xf32, #tpu.memory_space<hbm>> -> memref<1x200x32xf32, #tpu.memory_space<hbm>>
      %dma_wait3A_452 = tpu.memref_squeeze %dma_wait3A_451 : memref<1x200x32xf32, #tpu.memory_space<hbm>> -> memref<200x32xf32, #tpu.memory_space<hbm>>
      %dma_wait3A_453 = arith.constant 2400 : i32
      %dma_wait3A_454 = arith.constant 0 : i32
      %dma_wait3A_455 = tpu.memref_slice %arg6[%dma_wait3A_453, %dma_wait3A_454] : memref<3200x32xf32, #tpu.memory_space<vmem>> -> memref<200x32xf32, #tpu.memory_space<vmem>>
      tpu.wait_dma2 semaphore(%arg8 : memref<!tpu.dma_semaphore, #tpu.memory_space<semaphore_mem>>) src(%dma_wait3A_455 : memref<200x32xf32, #tpu.memory_space<vmem>>) dst(%dma_wait3A_452 : memref<200x32xf32, #tpu.memory_space<hbm>>)
      %dma_wait3A_456 = arith.constant 2600 : i32
      %dma_wait3A_457 = arith.constant 0 : i32
      %dma_wait3A_458 = tpu.memref_slice %arg6[%dma_wait3A_456, %dma_wait3A_457] : memref<3200x32xf32, #tpu.memory_space<vmem>> -> memref<200x32xf32, #tpu.memory_space<vmem>>
      %dma_wait3A_459 = arith.constant 0 : i32
      %dma_wait3A_460 = arith.constant 0 : i32
      %dma_wait3A_461 = tpu.memref_slice %arg4[%add3A_227, %dma_wait3A_459, %dma_wait3A_460] : memref<4096x200x32xf32, #tpu.memory_space<hbm>> -> memref<1x200x32xf32, #tpu.memory_space<hbm>>
      %dma_wait3A_462 = tpu.memref_squeeze %dma_wait3A_461 : memref<1x200x32xf32, #tpu.memory_space<hbm>> -> memref<200x32xf32, #tpu.memory_space<hbm>>
      %dma_wait3A_463 = arith.constant 0 : i32
      %dma_wait3A_464 = arith.constant 0 : i32
      %dma_wait3A_465 = tpu.memref_slice %arg4[%add3A_227, %dma_wait3A_463, %dma_wait3A_464] : memref<4096x200x32xf32, #tpu.memory_space<hbm>> -> memref<1x200x32xf32, #tpu.memory_space<hbm>>
      %dma_wait3A_466 = tpu.memref_squeeze %dma_wait3A_465 : memref<1x200x32xf32, #tpu.memory_space<hbm>> -> memref<200x32xf32, #tpu.memory_space<hbm>>
      %dma_wait3A_467 = arith.constant 2600 : i32
      %dma_wait3A_468 = arith.constant 0 : i32
      %dma_wait3A_469 = tpu.memref_slice %arg6[%dma_wait3A_467, %dma_wait3A_468] : memref<3200x32xf32, #tpu.memory_space<vmem>> -> memref<200x32xf32, #tpu.memory_space<vmem>>
      tpu.wait_dma2 semaphore(%arg8 : memref<!tpu.dma_semaphore, #tpu.memory_space<semaphore_mem>>) src(%dma_wait3A_469 : memref<200x32xf32, #tpu.memory_space<vmem>>) dst(%dma_wait3A_466 : memref<200x32xf32, #tpu.memory_space<hbm>>)
      %dma_wait3A_470 = arith.constant 2800 : i32
      %dma_wait3A_471 = arith.constant 0 : i32
      %dma_wait3A_472 = tpu.memref_slice %arg6[%dma_wait3A_470, %dma_wait3A_471] : memref<3200x32xf32, #tpu.memory_space<vmem>> -> memref<200x32xf32, #tpu.memory_space<vmem>>
      %dma_wait3A_473 = arith.constant 0 : i32
      %dma_wait3A_474 = arith.constant 0 : i32
      %dma_wait3A_475 = tpu.memref_slice %arg4[%add3A_243, %dma_wait3A_473, %dma_wait3A_474] : memref<4096x200x32xf32, #tpu.memory_space<hbm>> -> memref<1x200x32xf32, #tpu.memory_space<hbm>>
      %dma_wait3A_476 = tpu.memref_squeeze %dma_wait3A_475 : memref<1x200x32xf32, #tpu.memory_space<hbm>> -> memref<200x32xf32, #tpu.memory_space<hbm>>
      %dma_wait3A_477 = arith.constant 0 : i32
      %dma_wait3A_478 = arith.constant 0 : i32
      %dma_wait3A_479 = tpu.memref_slice %arg4[%add3A_243, %dma_wait3A_477, %dma_wait3A_478] : memref<4096x200x32xf32, #tpu.memory_space<hbm>> -> memref<1x200x32xf32, #tpu.memory_space<hbm>>
      %dma_wait3A_480 = tpu.memref_squeeze %dma_wait3A_479 : memref<1x200x32xf32, #tpu.memory_space<hbm>> -> memref<200x32xf32, #tpu.memory_space<hbm>>
      %dma_wait3A_481 = arith.constant 2800 : i32
      %dma_wait3A_482 = arith.constant 0 : i32
      %dma_wait3A_483 = tpu.memref_slice %arg6[%dma_wait3A_481, %dma_wait3A_482] : memref<3200x32xf32, #tpu.memory_space<vmem>> -> memref<200x32xf32, #tpu.memory_space<vmem>>
      tpu.wait_dma2 semaphore(%arg8 : memref<!tpu.dma_semaphore, #tpu.memory_space<semaphore_mem>>) src(%dma_wait3A_483 : memref<200x32xf32, #tpu.memory_space<vmem>>) dst(%dma_wait3A_480 : memref<200x32xf32, #tpu.memory_space<hbm>>)
      %dma_wait3A_484 = arith.constant 3000 : i32
      %dma_wait3A_485 = arith.constant 0 : i32
      %dma_wait3A_486 = tpu.memref_slice %arg6[%dma_wait3A_484, %dma_wait3A_485] : memref<3200x32xf32, #tpu.memory_space<vmem>> -> memref<200x32xf32, #tpu.memory_space<vmem>>
      %dma_wait3A_487 = arith.constant 0 : i32
      %dma_wait3A_488 = arith.constant 0 : i32
      %dma_wait3A_489 = tpu.memref_slice %arg4[%add3A_259, %dma_wait3A_487, %dma_wait3A_488] : memref<4096x200x32xf32, #tpu.memory_space<hbm>> -> memref<1x200x32xf32, #tpu.memory_space<hbm>>
      %dma_wait3A_490 = tpu.memref_squeeze %dma_wait3A_489 : memref<1x200x32xf32, #tpu.memory_space<hbm>> -> memref<200x32xf32, #tpu.memory_space<hbm>>
      %dma_wait3A_491 = arith.constant 0 : i32
      %dma_wait3A_492 = arith.constant 0 : i32
      %dma_wait3A_493 = tpu.memref_slice %arg4[%add3A_259, %dma_wait3A_491, %dma_wait3A_492] : memref<4096x200x32xf32, #tpu.memory_space<hbm>> -> memref<1x200x32xf32, #tpu.memory_space<hbm>>
      %dma_wait3A_494 = tpu.memref_squeeze %dma_wait3A_493 : memref<1x200x32xf32, #tpu.memory_space<hbm>> -> memref<200x32xf32, #tpu.memory_space<hbm>>
      %dma_wait3A_495 = arith.constant 3000 : i32
      %dma_wait3A_496 = arith.constant 0 : i32
      %dma_wait3A_497 = tpu.memref_slice %arg6[%dma_wait3A_495, %dma_wait3A_496] : memref<3200x32xf32, #tpu.memory_space<vmem>> -> memref<200x32xf32, #tpu.memory_space<vmem>>
      tpu.wait_dma2 semaphore(%arg8 : memref<!tpu.dma_semaphore, #tpu.memory_space<semaphore_mem>>) src(%dma_wait3A_497 : memref<200x32xf32, #tpu.memory_space<vmem>>) dst(%dma_wait3A_494 : memref<200x32xf32, #tpu.memory_space<hbm>>)
    }
    %scan3A_7 = arith.constant 8 : i32
    return
  }
}

</mosaic_0001>

<sc_bundles>
// kernel: kernel.3.cloned.1.call-start
scs
__scs_entry_jumppad:
0x0: {  	(pc) =	sbr.rel $0x88, $3  }
0x1: {  	(tag) =	ssettag $0x0;
	lr =	simm.s32 $0x1  }
0x2: {  	[smem:$0x3F9F] =	sst lr;
	_ =	strace $0xD0000000  }
0x3: {  	_ = 	snop  }
0x4: {  	_ = 	snop  }
0x5: {  	_ = 	snop  }
0x6: {  	_ = 	snop  }
0x7: {  	_ = 	snop  }
__scs_overlays_trampoline_lowered:
0x8: {  	[smem:$0x3FAE] =	sst s0  }
0x9: {  	[smem:$0x3FAF] =	sst s1  }
0xa: {  	[smem:$0x3FB0] =	sst s2  }
0xb: {  	[smem:$0x3FB1] =	sst s3  }
0xc: {  	[smem:$0x3FB2] =	sst s4  }
0xd: {  	[smem:$0x3FB3] =	sst s5  }
0xe: {  	[smem:$0x3FB4] =	sst s6  }
0xf: {  	[smem:$0x3FB5] =	sst s7  }
0x10: {  	[smem:$0x3FB6] =	sst s8  }
0x11: {  	[smem:$0x3FB7] =	sst s9;
	s0 =	simm.s32 @!p0 $0x0  }
0x12: {  	s1 =	sld [smem:$0x3F9D];
	s0 =	simm.s32 @p0 $0x1  }
0x13: {  	[smem:$0x3FB8] =	sst s0;
	s0 =	simm.s32 @!p1 $0x0  }
0x14: {  	s2 =	sld [smem:$0x3F9C];
	s0 =	simm.s32 @p1 $0x1  }
0x15: {  	[smem:$0x3FB9] =	sst s0;
	s0 =	simm.s32 @!p2 $0x0  }
0x16: {  	s3 =	sld [smem:$0x3FDB];
	s0 =	simm.s32 @p2 $0x1  }
0x17: {  	s4 =	simm.s32 $0x1BF5;
	[smem:$0x3FBB] =	sst s0  }
0x18: {  	s0 =	sld [smem:$0x3F9E];
	_ =	swait.ge [sflag:s4], $0x0  }
0x19: {  	s7 =	sld [smem:$0x3F9F]  }
0x1a: {  	s8 =	sadd.s32 $0xFFFFE003, lr  }
0x1b: {  	s9 =	sadd.s32 $0xFFFFFEF7, lr;
	s5 =	simm.s32 $0xFFFFFFFF;
	p2 =	slt.u32 s8, $0xFFFFF086  }
0x1c: {  	p1 =	slt.u32 s9, $0xF7A;
	s5 =	simm.s32 @!p2 $0x0  }
0x1d: {  	s5 =	simm.s32 @p1 $0x1;
	p0 =	seq.s32 s7, s2  }
0x1e: {  	s7 =	smul.u32 @!p0 $0xF7A, s2;
	p2 =	seq.s32 @!p0 s5, $0x0  }
0x1f: {  	s9 =	smul.u32 $0xF7A, s1;
	s8 =	simm.s32 @!p0 $0x1BF5;
	p2 =	por !p2, p0  }
0x20: {  	[sflag:s8] =	ssyncset.s32 @!p0 $0xFFFFF086;
	s6 =	sadd.s32 @!p0 s3, s7;
	s7 =	simm.s32 @!p0 $0x108  }
0x21: {  	s3 =	sadd.s32 s3, s9;
	s6 =	sadd.s32 @!p0 $0x88, s6;
	s7 =	simm.s32 @p2 $0x1082  }
0x22: {  	[simem:s7], [sflag:s8] =	dma.local @!p0 [hbm:s6], $0xF7A  }
0x23: {  	s9 =	sor.u32 $0xD0000000, s2;
	s6 =	simm.s32 $0x108;
	_ =	swait.ge @!p0 [sflag:s8], $0x0  }
0x24: {  	s3 =	sadd.s32 $0x88, s3;
	s6 =	simm.s32 @!p1 $0x1082;
	[sflag:s4] =	ssyncset.s32 $0xFFFFF086  }
0x25: {  	[simem:s6], [sflag:s4] =	dma.local [hbm:s3], $0xF7A  }
0x26: {  	[smem:$0x3F9F] =	sst s1;
	(tag) =	ssettag s2;
	_ =	strace s9  }
0x27: {  	s1 =	sld [smem:$0x3FAF]  }
0x28: {  	s2 =	sld [smem:$0x3FB0]  }
0x29: {  	s4 =	sld [smem:$0x3FB2]  }
0x2a: {  	p0 =	seq.s32 s5, $0x0;
	s5 =	sld [smem:$0x3FB3]  }
0x2b: {  	s6 =	sld [smem:$0x3FB4]  }
0x2c: {  	s7 =	sld [smem:$0x3FB5]  }
0x2d: {  	s3 =	simm.s32 $0x108;
	s8 =	sld [smem:$0x3FB6]  }
0x2e: {  	s3 =	simm.s32 @!p0 $0x1082;
	s9 =	sld [smem:$0x3FB7]  }
0x2f: {  	lr =	sadd.s32 s0, s3;
	s0 =	sld [smem:$0x3FAE]  }
0x30: {  	s3 =	sld [smem:$0x3FB1]  }
0x31: {  	[smem:$0x3FBA] =	sst s10  }
0x32: {  	s10 =	sld [smem:$0x3FB8];
	_ =	sdelay $0x3  }
0x33: {  	p0 =	seq.s32 s10, $0x1;
	s10 =	sld [smem:$0x3FBA];
	_ =	sdelay $0x3  }
0x34: {  	[smem:$0x3FBA] =	sst s10  }
0x35: {  	s10 =	sld [smem:$0x3FB9];
	_ =	sdelay $0x3  }
0x36: {  	p1 =	seq.s32 s10, $0x1;
	s10 =	sld [smem:$0x3FBA];
	_ =	sdelay $0x3  }
0x37: {  	[smem:$0x3FBA] =	sst s10  }
0x38: {  	s10 =	sld [smem:$0x3FBB]  }
0x39: {  	_ = 	snop;
	(pc) =	sbr.ind lr, $3  }
0x3a: {  	_ = 	snop  }
0x3b: {  	_ = 	snop  }
0x3c: {  	p2 =	seq.s32 s10, $0x1;
	s10 =	sld [smem:$0x3FBA]  }
0x3d: {  	_ =	shalt  }
0x3e: {  	_ =	shalt  }
0x3f: {  	_ =	shalt  }
0x40: {  	_ =	shalt  }
0x41: {  	_ =	shalt  }
0x42: {  	_ =	shalt  }
0x43: {  	_ =	shalt  }
0x44: {  	_ =	shalt  }
0x45: {  	_ =	shalt  }
0x46: {  	_ =	shalt  }
0x47: {  	_ =	shalt  }
0x48: {  	_ =	shalt  }
0x49: {  	_ =	shalt  }
0x4a: {  	_ =	shalt  }
0x4b: {  	_ =	shalt  }
0x4c: {  	_ =	shalt  }
0x4d: {  	_ =	shalt  }
0x4e: {  	_ =	shalt  }
0x4f: {  	_ =	shalt  }
0x50: {  	_ =	shalt  }
0x51: {  	_ =	shalt  }
0x52: {  	_ =	shalt  }
0x53: {  	_ =	shalt  }
0x54: {  	_ =	shalt  }
0x55: {  	_ =	shalt  }
0x56: {  	_ =	shalt  }
0x57: {  	_ =	shalt  }
0x58: {  	_ =	shalt  }
0x59: {  	_ =	shalt  }
0x5a: {  	_ =	shalt  }
0x5b: {  	_ =	shalt  }
0x5c: {  	_ =	shalt  }
0x5d: {  	_ =	shalt  }
0x5e: {  	_ =	shalt  }
0x5f: {  	_ =	shalt  }
0x60: {  	_ =	shalt  }
0x61: {  	_ =	shalt  }
0x62: {  	_ =	shalt  }
0x63: {  	_ =	shalt  }
0x64: {  	_ =	shalt  }
0x65: {  	_ =	shalt  }
0x66: {  	_ =	shalt  }
0x67: {  	_ =	shalt  }
0x68: {  	_ =	shalt  }
0x69: {  	_ =	shalt  }
0x6a: {  	_ =	shalt  }
0x6b: {  	_ =	shalt  }
0x6c: {  	_ =	shalt  }
0x6d: {  	_ =	shalt  }
0x6e: {  	_ =	shalt  }
0x6f: {  	_ =	shalt  }
0x70: {  	_ =	shalt  }
0x71: {  	_ =	shalt  }
0x72: {  	_ =	shalt  }
0x73: {  	_ =	shalt  }
0x74: {  	_ =	shalt  }
0x75: {  	_ =	shalt  }
0x76: {  	_ =	shalt  }
0x77: {  	_ =	shalt  }
0x78: {  	_ =	shalt  }
0x79: {  	_ =	shalt  }
0x7a: {  	_ =	shalt  }
0x7b: {  	_ =	shalt  }
0x7c: {  	_ =	shalt  }
0x7d: {  	_ =	shalt  }
0x7e: {  	_ =	shalt  }
0x7f: {  	_ =	shalt  }
0x80: {  	_ =	shalt  }
0x81: {  	_ =	shalt  }
0x82: {  	_ =	shalt  }
0x83: {  	_ =	shalt  }
0x84: {  	_ =	shalt  }
0x85: {  	_ =	shalt  }
0x86: {  	_ =	shalt  }
0x87: {  	_ =	shalt  }
.Lfunc_end0:
.L_simem_size_0:
called_computation.1_lowered:
.L_overlay_start_0:
0x88: {  	s2 =	sld [smem:$0x3FD9]  }
0x89: {  	s3 =	sld [smem:$0x3FFE];
	_ =	sdelay $0x1  }
0x8a: {  	s1 =	srdreg.scid  }
0x8b: {  	s0 =	sand.u32 $0x1, s1  }
0x8c: {  	s17 =	sshll.u32 s0, $0xA;
	s2 =	sadd.s32 s3, s2  }
0x8d: {  	s2 =	sadd.s32 s2, s17  }
0x8e: {  	[smem:$0x3FC6] =	sst s2  }
0x8f: {  	_ = 	snop  }
0x90: {  	s2 =	sld [smem:$0x3FD0];
	(tm) =	ssettm $0x1  }
0x91: {  	s18 =	sld [smem:$0x3FFB];
	_ =	sdelay $0x3  }
0x92: {  	_ =	strace s18  }
0x93: {  	s3 =	sld [smem:$0x3FFC];
	_ =	sdelay $0x3  }
0x94: {  	_ =	strace s3  }
0x95: {  	s3 =	sld [smem:$0x3FFD];
	_ =	sdelay $0x3  }
0x96: {  	_ =	strace s3  }
0x97: {  	_ =	strace $0x8FFFFFFF  }
0x98: {  	s19 =	sld [smem:$0x3FDB];
	_ =	sdelay $0x1  }
0x99: {  	s4 =	simm.s32 $_scs_section_size  }
0x9a: {  	s5 =	simm.s32 $_size__tile_overlayer_lowered;
	s6 =	simm.s32 $_tile_overlayer_lowered  }
0x9b: {  	s22 =	simm.s32 $0x1BFF;
	s21 =	sshll.u32 s6, $0x1;
	s3 =	sadd.s32 s4, s19  }
0x9c: {  	s7 =	simm.s32 $0x0;
	s20 =	sshll.u32 s5, $0x1;
	s5 =	sadd.s32 s21, s3  }
0x9d: {  	[timem:s7], [sflag:s22] =	dma.local [hbm:s5], s20  }
0x9e: {  	_ =	swait.ge [sflag:s22], s20  }
0x9f: {  	s4 =	ssub.s32 $0x0, s20;
	[sflag:s22] =	ssyncset.done $0x0  }
0xa0: {  	[sflag:s22] =	ssyncadd.s32 s4;
	_ =	sdelay $0x1  }
0xa1: {  	s23 =	simm.s32 $0x1B8B  }
0xa2: {  	_ =	swait.ge [sflag:s23], $0x1  }
0xa3: {  	[sflag:s23] =	ssyncset.done $0x0  }
0xa4: {  	s25 =	simm.s32 $0x1B8E;
	s24 =	sld [smem:$0x3FFE];
	[sflag:s23] =	ssyncadd.s32 $0xFFFFFFFF  }
0xa5: {  	s26 =	simm.s32 $execute0_lowered;
	[smem:$0x3FD2] =	sst s25  }
0xa6: {  	s5 =	sshll.u32 s26, $0x1;
	_ =	strace $0x80000046;
	[dreg:$0x1] =	wrdreg $0xFFFFFFFF  }
0xa7: {  	s28 =	simm.s32 $_size_execute0_lowered;
	s3 =	sadd.s32 s3, s5;
	[dreg:$0x0] =	wrdreg $0x0  }
0xa8: {  	s5 =	sshll.u32 s28, $0x1;
	[dreg:$0x2] =	wrdreg s3  }
0xa9: {  	[dreg:$0x3] =	wrdreg s5  }
0xaa: {  	[dreg:$0x4] =	wrdreg $0xC0  }
0xab: {  	_ =	task [dreg:s7], $0x5FFFF  }
0xac: {  	[dreg:$0x1] =	wrdreg $0xFFFFFFFF  }
0xad: {  	[dreg:$0x0] =	wrdreg $0x60  }
0xae: {  	[dreg:$0x2] =	wrdreg s24  }
0xaf: {  	[dreg:$0x3] =	wrdreg s2  }
0xb0: {  	[dreg:$0x4] =	wrdreg $0x9  }
0xb1: {  	_ =	task.clear_ibuf [dreg:s7], $0x5FFFF;
	_ =	strace $0x90000046  }
0xb2: {  	s29 =	simm.s32 $0x9;
	_ =	strace $0x80000048  }
0xb3: {  	_ =	swait.ge [sflag:s29], $0x1  }
0xb4: {  	[sflag:s29] =	ssyncadd.s32 $0xFFFFFFFF  }
0xb5: {  	_ =	strace $0x90000048  }
0xb6: {  	_ =	sfence  }
0xb7: {  	s30 =	sld [smem:$0x0];
	_ =	sdelay $0x2  }
0xb8: {  	s31 =	sshll.u32 s1, $0xD;
	s1 =	sshrl.u32 s1, $0x2  }
0xb9: {  	s3 =	sand.u32 $0x4000, s31;
	s1 =	sadd.s32 s1, s30  }
0xba: {  	s0 =	sor.u32 s3, s0;
	s1 =	sshll.u32 s1, $0x11  }
0xbb: {  	s0 =	sor.u32 s1, s0  }
0xbc: {  	s0 =	sadd.s32 $0x8F2B, s0  }
0xbd: {  	[sflag:s0] =	ssyncadd.remote.s32 $0x1  }
0xbe: {  	_ =	sfence.sel $0xFFFF  }
0xbf: {  	[dreg:$0x0] =	wrdreg $0xFFFFFFFF;
	(pc) =	sbr.abs _section_cstart, $3  }
0xc0: {  	[dreg:$0x1] =	wrdreg $0xFFFFFFFF  }
0xc1: {  	_ =	task.clear_ibuf [dreg:s7], $0x2FFFF;
	_ =	strace $0x9FFFFFFF  }
0xc2: {  	(tm) =	ssettm $0x7FFFFFFF  }
0xc3: {  	_ =	shalt  }
tec
execute0_lowered:
.L_overlay_start_1:
0x0: {  	(tag) =	ssettag $0x1  }
0x1: {  	s5 =	rddreg [dreg:$0x0]  }
0x2: {  	s0 =	stileid.u32;
	s1 =	srdreg.scid  }
0x3: {  	s4 =	rddreg [dreg:$0x1];
	s3 =	sand.u32 $0x1, s1;
	s6 =	smul.u32 $0x190000, s0  }
0x4: {  	s2 =	simm.s32 $0x0;
	s1 =	rddreg [dreg:$0x2];
	s7 =	smul.u32 $0xC8000, s3  }
0x5: {  	[smem:$0x7FF] =	sst s2;
	s8 =	smul.u32 $0x1900, s0;
	s12 =	sadd.s32 $0xF42E00, s5  }
0x6: {  	_ =	strace $0x80000047;
	[dreg:$0x3] =	wrdreg s12;
	s6 =	sadd.s32 s7, s6  }
0x7: {  	s5 =	sadd.s32 s8, s5;
	s8 =	ssub.s32 $0x2, s3;
	s9 =	sadd.s32 $0x17700, s6  }
0x8: {  	s14 =	sadd.s32 $0x15E00, s6;
	s16 =	sadd.s32 $0x14500, s6;
	s10 =	sadd.s32 $0x12C00, s6  }
0x9: {  	s20 =	sadd.s32 $0x11300, s6;
	s22 =	sadd.s32 $0xFA00, s6;
	s23 =	sadd.s32 $0xE100, s6  }
0xa: {  	s28 =	sadd.s32 $0xC800, s6;
	s30 =	sadd.s32 $0xAF00, s6;
	s31 =	sadd.s32 $0x9600, s6  }
0xb: {  	s13 =	sshrl.u32 s9, $0x3;
	s15 =	sshrl.u32 s14, $0x3;
	s9 =	sshrl.u32 s16, $0x3  }
0xc: {  	s18 =	sshrl.u32 s10, $0x3;
	s21 =	sshrl.u32 s20, $0x3;
	s25 =	sshrl.u32 s23, $0x3  }
0xd: {  	s29 =	sshrl.u32 s28, $0x3;
	s11 =	sshrl.u32 s31, $0x3;
	s16 =	sor.u32 $0x4B00, s6  }
0xe: {  	s23 =	smul.u32 $0x19000, s3;
	s28 =	simm.s32 $0x5780;
	s31 =	simm.s32 $0xA280  }
0xf: {  	s10 =	simm.s32 $0xED80;
	s7 =	sadd.s32 s13, s4;
	s17 =	sadd.s32 s9, s4  }
0x10: {  	s19 =	sadd.s32 s18, s4;
	s9 =	sshrl.u32 s22, $0x3;
	[dreg:$0x16] =	wrdreg s28  }
0x11: {  	s26 =	sadd.s32 s25, s4;
	s12 =	sadd.s32 s11, s4;
	[dreg:$0x19] =	wrdreg s31  }
0x12: {  	s13 =	sor.u32 $0x7D00, s6;
	s18 =	sshrl.u32 s16, $0x3;
	[dreg:$0x4] =	wrdreg s7  }
0x13: {  	s22 =	smul.u32 $0x32000, s0;
	s25 =	simm.s32 $0x2580;
	[dreg:$0x6] =	wrdreg s17  }
0x14: {  	s11 =	simm.s32 $0x10680;
	s16 =	simm.s32 $0x18380;
	[dreg:$0x7] =	wrdreg s19  }
0x15: {  	s7 =	sadd.s32 s15, s4;
	s24 =	sadd.s32 s9, s4;
	[dreg:$0xa] =	wrdreg s26  }
0x16: {  	s9 =	sshrl.u32 s30, $0x3;
	[dreg:$0xd] =	wrdreg s12;
	s14 =	sshrl.u32 s13, $0x3  }
0x17: {  	s15 =	sor.u32 $0x6400, s6;
	s19 =	sshrl.u32 s8, $0x1;
	[dreg:$0x14] =	wrdreg s25  }
0x18: {  	s20 =	sadd.s32 s18, s4;
	s26 =	simm.s32 $0x3E80;
	[dreg:$0x5] =	wrdreg s7  }
0x19: {  	s30 =	simm.s32 $0x8980;
	s12 =	simm.s32 $0x11F80;
	[dreg:$0x9] =	wrdreg s24  }
0x1a: {  	s13 =	simm.s32 $0x13880;
	s18 =	simm.s32 $0x0;
	[dreg:$0x10] =	wrdreg s20  }
0x1b: {  	s7 =	sadd.s32 s21, s4;
	s9 =	sadd.s32 s9, s4;
	[dreg:$0x15] =	wrdreg s26  }
0x1c: {  	s8 =	ssub.s32 s8, s19;
	s21 =	sor.u32 $0x3200, s6;
	[dreg:$0x18] =	wrdreg s30  }
0x1d: {  	s6 =	sor.u32 $0x1900, s6;
	s24 =	smul.u32 $0xC80, s3;
	[dreg:$0x8] =	wrdreg s7  }
0x1e: {  	s7 =	sadd.s32 s29, s4;
	[dreg:$0xc] =	wrdreg s9;
	s9 =	sshrl.u32 s15, $0x3  }
0x1f: {  	s6 =	sshrl.u32 s6, $0x3;
	s3 =	smax.u32 s8, $0x1;
	s29 =	simm.s32 $0x7080  }
0x20: {  	s8 =	simm.s32 $0xBB80;
	s15 =	simm.s32 $0x16A80;
	[dreg:$0xb] =	wrdreg s7  }
0x21: {  	s7 =	sadd.s32 s14, s4;
	s17 =	sadd.s32 s9, s4;
	[dreg:$0x17] =	wrdreg s29  }
0x22: {  	s6 =	sadd.s32 s6, s4;
	s5 =	sadd.s32 s24, s5;
	[dreg:$0xe] =	wrdreg s7  }
0x23: {  	s9 =	simm.s32 $0xD480;
	s14 =	simm.s32 $0x15180;
	[dreg:$0xf] =	wrdreg s17  }
0x24: {  	s7 =	sshrl.u32 s21, $0x3;
	[dreg:$0x12] =	wrdreg s6;
	s6 =	simm.s32 $0xC80  }
0x25: {  	s17 =	simm.s32 $0x2;
	s7 =	sadd.s32 s7, s4;
	s4 =	sadd.s32 s22, s4  }
0x26: {  	[dreg:$0x11] =	wrdreg s7;
	s4 =	sadd.s32 s23, s4;
	s7 =	simm.s32 $0x1  }
0x27: {  	[dreg:$0x13] =	wrdreg s4;
	s4 =	sadd.s32 $0xA00, s5;
	s5 =	simm.s32 $0x3  }
.LBB2_1:
0x28: {  	[tilespmem:s2], [sflag:$0x3] =	stream.linear.gather [hbm4b:s4+s2], $0xC80, $0x38;
	[tilespmem:$0x19C80] =	vst v63  }
0x29: {  	_ =	swait.ge [sflag:s5], $0xC80  }
0x2a: {  	[sflag:s5] =	ssyncset.done $0x0  }
0x2b: {  	s19 =	rddreg [dreg:$0x3];
	[sflag:s5] =	ssyncadd.s32 $0xFFFFF380  }
0x2c: {  	[tilespmem:s6], [sflag:$0x1] =	stream.indirect.gather [hbm4b:s19+s6], $0x20, s2, s6, $0xb8;
	[tilespmem:$0x19C80] =	vst v63  }
0x2d: {  	_ =	swait.ge [sflag:s7], $0x19000  }
0x2e: {  	s19 =	rddreg [dreg:$0x19]  }
0x2f: {  	s20 =	rddreg [dreg:$0x18]  }
0x30: {  	s21 =	rddreg [dreg:$0x14]  }
0x31: {  	s22 =	rddreg [dreg:$0x12]  }
0x32: {  	s23 =	rddreg [dreg:$0x11]  }
0x33: {  	s24 =	rddreg [dreg:$0x13]  }
0x34: {  	s25 =	rddreg [dreg:$0xe];
	[sflag:s7] =	ssyncset.done $0x0  }
0x35: {  	s26 =	rddreg [dreg:$0x10];
	[sflag:s7] =	ssyncadd.s32 $0xFFFE7000;
	s24 =	sadd.s32 $0x0, s24  }
0x36: {  	[hbm4b:s24+s2] =	stream.linear.scatter [tilespmem:s6], [sflag:$0x2], $0x1900, $0x38;
	[tilespmem:$0x19C80] =	vst v63  }
0x37: {  	s28 =	rddreg [dreg:$0xf];
	s22 =	sadd.s32 $0x0, s22  }
0x38: {  	[hbm4b:s22+s2] =	stream.linear.scatter [tilespmem:s21], [sflag:$0x2], $0x1900, $0x38;
	[tilespmem:$0x19C80] =	vst v63  }
0x39: {  	s31 =	rddreg [dreg:$0x15];
	s22 =	sadd.s32 $0x0, s23  }
0x3a: {  	[hbm4b:s22+s2] =	stream.linear.scatter [tilespmem:s31], [sflag:$0x2], $0x1900, $0x38;
	[tilespmem:$0x19C80] =	vst v63  }
0x3b: {  	s24 =	sadd.s32 $0x0, s26;
	s23 =	rddreg [dreg:$0x16]  }
0x3c: {  	[hbm4b:s24+s2] =	stream.linear.scatter [tilespmem:s23], [sflag:$0x2], $0x1900, $0x38;
	[tilespmem:$0x19C80] =	vst v63  }
0x3d: {  	s28 =	sadd.s32 $0x0, s28;
	s26 =	rddreg [dreg:$0x17]  }
0x3e: {  	[hbm4b:s28+s2] =	stream.linear.scatter [tilespmem:s26], [sflag:$0x2], $0x1900, $0x38;
	[tilespmem:$0x19C80] =	vst v63  }
0x3f: {  	s29 =	rddreg [dreg:$0xd];
	s30 =	sadd.s32 $0x0, s25  }
0x40: {  	[hbm4b:s30+s2] =	stream.linear.scatter [tilespmem:s20], [sflag:$0x2], $0x1900, $0x38;
	[tilespmem:$0x19C80] =	vst v63  }
0x41: {  	s31 =	rddreg [dreg:$0xc];
	s22 =	sadd.s32 $0x0, s29  }
0x42: {  	[hbm4b:s22+s2] =	stream.linear.scatter [tilespmem:s19], [sflag:$0x2], $0x1900, $0x38;
	[tilespmem:$0x19C80] =	vst v63  }
0x43: {  	s25 =	sadd.s32 $0x0, s31;
	s24 =	rddreg [dreg:$0xb]  }
0x44: {  	[hbm4b:s25+s2] =	stream.linear.scatter [tilespmem:s8], [sflag:$0x2], $0x1900, $0x38;
	[tilespmem:$0x19C80] =	vst v63  }
0x45: {  	s26 =	rddreg [dreg:$0xa];
	s28 =	sadd.s32 $0x0, s24  }
0x46: {  	[hbm4b:s28+s2] =	stream.linear.scatter [tilespmem:s9], [sflag:$0x2], $0x1900, $0x38;
	[tilespmem:$0x19C80] =	vst v63  }
0x47: {  	s29 =	rddreg [dreg:$0x9];
	s30 =	sadd.s32 $0x0, s26  }
0x48: {  	[hbm4b:s30+s2] =	stream.linear.scatter [tilespmem:s10], [sflag:$0x2], $0x1900, $0x38;
	[tilespmem:$0x19C80] =	vst v63  }
0x49: {  	s31 =	rddreg [dreg:$0x8];
	s21 =	sadd.s32 $0x0, s29  }
0x4a: {  	[hbm4b:s21+s2] =	stream.linear.scatter [tilespmem:s11], [sflag:$0x2], $0x1900, $0x38;
	[tilespmem:$0x19C80] =	vst v63  }
0x4b: {  	s23 =	sadd.s32 $0x0, s31;
	s22 =	rddreg [dreg:$0x7]  }
0x4c: {  	[hbm4b:s23+s2] =	stream.linear.scatter [tilespmem:s12], [sflag:$0x2], $0x1900, $0x38;
	[tilespmem:$0x19C80] =	vst v63  }
0x4d: {  	s24 =	rddreg [dreg:$0x6];
	s25 =	sadd.s32 $0x0, s22  }
0x4e: {  	[hbm4b:s25+s2] =	stream.linear.scatter [tilespmem:s13], [sflag:$0x2], $0x1900, $0x38;
	[tilespmem:$0x19C80] =	vst v63  }
0x4f: {  	s26 =	rddreg [dreg:$0x5];
	s28 =	sadd.s32 $0x0, s24  }
0x50: {  	[hbm4b:s28+s2] =	stream.linear.scatter [tilespmem:s14], [sflag:$0x2], $0x1900, $0x38;
	[tilespmem:$0x19C80] =	vst v63  }
0x51: {  	s29 =	rddreg [dreg:$0x4];
	s30 =	sadd.s32 $0x0, s26  }
0x52: {  	[hbm4b:s30+s2] =	stream.linear.scatter [tilespmem:s15], [sflag:$0x2], $0x1900, $0x38;
	[tilespmem:$0x19C80] =	vst v63  }
0x53: {  	s31 =	sadd.s32 $0x0, s29  }
0x54: {  	[hbm4b:s31+s2] =	stream.linear.scatter [tilespmem:s16], [sflag:$0x2], $0x1900, $0x38;
	[tilespmem:$0x19C80] =	vst v63  }
0x55: {  	_ =	swait.ge [sflag:s17], $0x1900  }
0x56: {  	[sflag:s17] =	ssyncset.done $0x0  }
0x57: {  	[sflag:s17] =	ssyncadd.s32 $0xFFFFE700  }
0x58: {  	_ =	swait.ge [sflag:s17], $0x1900  }
0x59: {  	[sflag:s17] =	ssyncset.done $0x0  }
0x5a: {  	[sflag:s17] =	ssyncadd.s32 $0xFFFFE700  }
0x5b: {  	_ =	swait.ge [sflag:s17], $0x1900  }
0x5c: {  	[sflag:s17] =	ssyncset.done $0x0  }
0x5d: {  	[sflag:s17] =	ssyncadd.s32 $0xFFFFE700  }
0x5e: {  	_ =	swait.ge [sflag:s17], $0x1900  }
0x5f: {  	[sflag:s17] =	ssyncset.done $0x0  }
0x60: {  	[sflag:s17] =	ssyncadd.s32 $0xFFFFE700  }
0x61: {  	_ =	swait.ge [sflag:s17], $0x1900  }
0x62: {  	[sflag:s17] =	ssyncset.done $0x0  }
0x63: {  	[sflag:s17] =	ssyncadd.s32 $0xFFFFE700  }
0x64: {  	_ =	swait.ge [sflag:s17], $0x1900  }
0x65: {  	[sflag:s17] =	ssyncset.done $0x0  }
0x66: {  	[sflag:s17] =	ssyncadd.s32 $0xFFFFE700  }
0x67: {  	_ =	swait.ge [sflag:s17], $0x1900  }
0x68: {  	[sflag:s17] =	ssyncset.done $0x0  }
0x69: {  	[sflag:s17] =	ssyncadd.s32 $0xFFFFE700  }
0x6a: {  	_ =	swait.ge [sflag:s17], $0x1900  }
0x6b: {  	[sflag:s17] =	ssyncset.done $0x0  }
0x6c: {  	[sflag:s17] =	ssyncadd.s32 $0xFFFFE700  }
0x6d: {  	_ =	swait.ge [sflag:s17], $0x1900  }
0x6e: {  	[sflag:s17] =	ssyncset.done $0x0  }
0x6f: {  	[sflag:s17] =	ssyncadd.s32 $0xFFFFE700  }
0x70: {  	_ =	swait.ge [sflag:s17], $0x1900  }
0x71: {  	[sflag:s17] =	ssyncset.done $0x0  }
0x72: {  	[sflag:s17] =	ssyncadd.s32 $0xFFFFE700  }
0x73: {  	_ =	swait.ge [sflag:s17], $0x1900  }
0x74: {  	[sflag:s17] =	ssyncset.done $0x0  }
0x75: {  	[sflag:s17] =	ssyncadd.s32 $0xFFFFE700  }
0x76: {  	_ =	swait.ge [sflag:s17], $0x1900  }
0x77: {  	[sflag:s17] =	ssyncset.done $0x0  }
0x78: {  	[sflag:s17] =	ssyncadd.s32 $0xFFFFE700  }
0x79: {  	_ =	swait.ge [sflag:s17], $0x1900  }
0x7a: {  	[sflag:s17] =	ssyncset.done $0x0  }
0x7b: {  	[sflag:s17] =	ssyncadd.s32 $0xFFFFE700  }
0x7c: {  	_ =	swait.ge [sflag:s17], $0x1900  }
0x7d: {  	[sflag:s17] =	ssyncset.done $0x0  }
0x7e: {  	s20 =	smov.u32 s4;
	s19 =	simm.s32 $0x3200;
	[sflag:s17] =	ssyncadd.s32 $0xFFFFE700  }
.LBB2_2:
0x7f: {  	_ =	swait.ge [sflag:s17], $0x1900  }
0x80: {  	[sflag:s17] =	ssyncset.done $0x0  }
0x81: {  	[sflag:s17] =	ssyncadd.s32 $0xFFFFE700  }
0x82: {  	_ =	swait.ge [sflag:s17], $0x1900  }
0x83: {  	[sflag:s17] =	ssyncset.done $0x0  }
0x84: {  	s20 =	sadd.s32 $0x190, s20;
	[sflag:s17] =	ssyncadd.s32 $0xFFFFE700  }
0x85: {  	[tilespmem:s2], [sflag:$0x3] =	stream.linear.gather [hbm4b:s20+s2], $0xC80, $0x38;
	[tilespmem:$0x19C80] =	vst v63  }
0x86: {  	_ =	swait.ge [sflag:s5], $0xC80  }
0x87: {  	[sflag:s5] =	ssyncset.done $0x0  }
0x88: {  	s22 =	rddreg [dreg:$0x3];
	[sflag:s5] =	ssyncadd.s32 $0xFFFFF380  }
0x89: {  	[tilespmem:s6], [sflag:$0x1] =	stream.indirect.gather [hbm4b:s22+s6], $0x20, s2, s6, $0xb8;
	[tilespmem:$0x19C80] =	vst v63  }
0x8a: {  	_ =	swait.ge [sflag:s7], $0x19000  }
0x8b: {  	s22 =	rddreg [dreg:$0x19]  }
0x8c: {  	s23 =	rddreg [dreg:$0x18]  }
0x8d: {  	s24 =	rddreg [dreg:$0x14]  }
0x8e: {  	s25 =	rddreg [dreg:$0x12]  }
0x8f: {  	s26 =	rddreg [dreg:$0x11]  }
0x90: {  	s28 =	rddreg [dreg:$0x13]  }
0x91: {  	s21 =	smov.u32 s19;
	[sflag:s7] =	ssyncset.done $0x0;
	s29 =	rddreg [dreg:$0xe]  }
0x92: {  	s30 =	rddreg [dreg:$0x10];
	[sflag:s7] =	ssyncadd.s32 $0xFFFE7000;
	s28 =	sadd.s32 s21, s28  }
0x93: {  	[hbm4b:s28+s2] =	stream.linear.scatter [tilespmem:s6], [sflag:$0x2], $0x1900, $0x38;
	[tilespmem:$0x19C80] =	vst v63  }
0x94: {  	s31 =	rddreg [dreg:$0xf];
	s25 =	sadd.s32 s21, s25  }
0x95: {  	[hbm4b:s25+s2] =	stream.linear.scatter [tilespmem:s24], [sflag:$0x2], $0x1900, $0x38;
	[tilespmem:$0x19C80] =	vst v63  }
0x96: {  	s28 =	rddreg [dreg:$0x15];
	s25 =	sadd.s32 s21, s26  }
0x97: {  	[hbm4b:s25+s2] =	stream.linear.scatter [tilespmem:s28], [sflag:$0x2], $0x1900, $0x38;
	[tilespmem:$0x19C80] =	vst v63  }
0x98: {  	s26 =	rddreg [dreg:$0x16];
	s28 =	sadd.s32 s21, s30  }
0x99: {  	[hbm4b:s28+s2] =	stream.linear.scatter [tilespmem:s26], [sflag:$0x2], $0x1900, $0x38;
	[tilespmem:$0x19C80] =	vst v63  }
0x9a: {  	s30 =	rddreg [dreg:$0x17];
	s25 =	sadd.s32 s21, s31  }
0x9b: {  	[hbm4b:s25+s2] =	stream.linear.scatter [tilespmem:s30], [sflag:$0x2], $0x1900, $0x38;
	[tilespmem:$0x19C80] =	vst v63  }
0x9c: {  	s28 =	rddreg [dreg:$0xd];
	s30 =	sadd.s32 s21, s29  }
0x9d: {  	[hbm4b:s30+s2] =	stream.linear.scatter [tilespmem:s23], [sflag:$0x2], $0x1900, $0x38;
	[tilespmem:$0x19C80] =	vst v63  }
0x9e: {  	s31 =	rddreg [dreg:$0xc];
	s28 =	sadd.s32 s21, s28  }
0x9f: {  	[hbm4b:s28+s2] =	stream.linear.scatter [tilespmem:s22], [sflag:$0x2], $0x1900, $0x38;
	[tilespmem:$0x19C80] =	vst v63  }
0xa0: {  	s29 =	rddreg [dreg:$0xb];
	s30 =	sadd.s32 s21, s31  }
0xa1: {  	[hbm4b:s30+s2] =	stream.linear.scatter [tilespmem:s8], [sflag:$0x2], $0x1900, $0x38;
	[tilespmem:$0x19C80] =	vst v63  }
0xa2: {  	s25 =	sadd.s32 s21, s29;
	s31 =	rddreg [dreg:$0xa]  }
0xa3: {  	[hbm4b:s25+s2] =	stream.linear.scatter [tilespmem:s9], [sflag:$0x2], $0x1900, $0x38;
	[tilespmem:$0x19C80] =	vst v63  }
0xa4: {  	s26 =	rddreg [dreg:$0x9];
	s28 =	sadd.s32 s21, s31  }
0xa5: {  	[hbm4b:s28+s2] =	stream.linear.scatter [tilespmem:s10], [sflag:$0x2], $0x1900, $0x38;
	[tilespmem:$0x19C80] =	vst v63  }
0xa6: {  	s29 =	rddreg [dreg:$0x8];
	s30 =	sadd.s32 s21, s26  }
0xa7: {  	[hbm4b:s30+s2] =	stream.linear.scatter [tilespmem:s11], [sflag:$0x2], $0x1900, $0x38;
	[tilespmem:$0x19C80] =	vst v63  }
0xa8: {  	s23 =	sadd.s32 s21, s29;
	s31 =	rddreg [dreg:$0x7]  }
0xa9: {  	[hbm4b:s23+s2] =	stream.linear.scatter [tilespmem:s12], [sflag:$0x2], $0x1900, $0x38;
	[tilespmem:$0x19C80] =	vst v63  }
0xaa: {  	s26 =	sadd.s32 s21, s31;
	s25 =	rddreg [dreg:$0x6]  }
0xab: {  	[hbm4b:s26+s2] =	stream.linear.scatter [tilespmem:s13], [sflag:$0x2], $0x1900, $0x38;
	[tilespmem:$0x19C80] =	vst v63  }
0xac: {  	s29 =	sadd.s32 s21, s25;
	s28 =	rddreg [dreg:$0x5]  }
0xad: {  	[hbm4b:s29+s2] =	stream.linear.scatter [tilespmem:s14], [sflag:$0x2], $0x1900, $0x38;
	[tilespmem:$0x19C80] =	vst v63  }
0xae: {  	s31 =	sadd.s32 s21, s28;
	s30 =	rddreg [dreg:$0x4]  }
0xaf: {  	[hbm4b:s31+s2] =	stream.linear.scatter [tilespmem:s15], [sflag:$0x2], $0x1900, $0x38;
	[tilespmem:$0x19C80] =	vst v63  }
0xb0: {  	s21 =	sadd.s32 s21, s30  }
0xb1: {  	[hbm4b:s21+s2] =	stream.linear.scatter [tilespmem:s16], [sflag:$0x2], $0x1900, $0x38;
	[tilespmem:$0x19C80] =	vst v63  }
0xb2: {  	_ =	swait.ge [sflag:s17], $0x1900  }
0xb3: {  	[sflag:s17] =	ssyncset.done $0x0  }
0xb4: {  	[sflag:s17] =	ssyncadd.s32 $0xFFFFE700  }
0xb5: {  	_ =	swait.ge [sflag:s17], $0x1900  }
0xb6: {  	[sflag:s17] =	ssyncset.done $0x0  }
0xb7: {  	[sflag:s17] =	ssyncadd.s32 $0xFFFFE700  }
0xb8: {  	_ =	swait.ge [sflag:s17], $0x1900  }
0xb9: {  	[sflag:s17] =	ssyncset.done $0x0  }
0xba: {  	[sflag:s17] =	ssyncadd.s32 $0xFFFFE700  }
0xbb: {  	_ =	swait.ge [sflag:s17], $0x1900  }
0xbc: {  	[sflag:s17] =	ssyncset.done $0x0  }
0xbd: {  	[sflag:s17] =	ssyncadd.s32 $0xFFFFE700  }
0xbe: {  	_ =	swait.ge [sflag:s17], $0x1900  }
0xbf: {  	[sflag:s17] =	ssyncset.done $0x0  }
0xc0: {  	[sflag:s17] =	ssyncadd.s32 $0xFFFFE700  }
0xc1: {  	_ =	swait.ge [sflag:s17], $0x1900  }
0xc2: {  	[sflag:s17] =	ssyncset.done $0x0  }
0xc3: {  	[sflag:s17] =	ssyncadd.s32 $0xFFFFE700  }
0xc4: {  	_ =	swait.ge [sflag:s17], $0x1900  }
0xc5: {  	[sflag:s17] =	ssyncset.done $0x0  }
0xc6: {  	[sflag:s17] =	ssyncadd.s32 $0xFFFFE700  }
0xc7: {  	_ =	swait.ge [sflag:s17], $0x1900  }
0xc8: {  	[sflag:s17] =	ssyncset.done $0x0  }
0xc9: {  	[sflag:s17] =	ssyncadd.s32 $0xFFFFE700  }
0xca: {  	_ =	swait.ge [sflag:s17], $0x1900  }
0xcb: {  	[sflag:s17] =	ssyncset.done $0x0  }
0xcc: {  	[sflag:s17] =	ssyncadd.s32 $0xFFFFE700  }
0xcd: {  	_ =	swait.ge [sflag:s17], $0x1900  }
0xce: {  	[sflag:s17] =	ssyncset.done $0x0  }
0xcf: {  	[sflag:s17] =	ssyncadd.s32 $0xFFFFE700  }
0xd0: {  	_ =	swait.ge [sflag:s17], $0x1900  }
0xd1: {  	[sflag:s17] =	ssyncset.done $0x0  }
0xd2: {  	[sflag:s17] =	ssyncadd.s32 $0xFFFFE700  }
0xd3: {  	_ =	swait.ge [sflag:s17], $0x1900  }
0xd4: {  	[sflag:s17] =	ssyncset.done $0x0  }
0xd5: {  	[sflag:s17] =	ssyncadd.s32 $0xFFFFE700  }
0xd6: {  	p0 =	sne.s32 s19, $0x15E00;
	_ =	swait.ge [sflag:s17], $0x1900  }
.Ltmp0:
0xd7: {  	[sflag:s17] =	ssyncset.done $0x0;
	(pc) =	sbr.rel @p0 .LBB2_2-.Ltmp0, $4  }
0xd8: {  	[sflag:s17] =	ssyncadd.s32 $0xFFFFE700  }
0xd9: {  	_ =	swait.ge [sflag:s17], $0x1900  }
0xda: {  	[sflag:s17] =	ssyncset.done $0x0  }
0xdb: {  	s19 =	sadd.s32 $0x3200, s19;
	[sflag:s17] =	ssyncadd.s32 $0xFFFFE700  }
0xdc: {  	s18 =	sadd.s32 $0x1, s18  }
0xdd: {  	_ =	swait.ge [sflag:s17], $0x1900;
	p0 =	sne.s32 s18, s3  }
.Ltmp1:
0xde: {  	[sflag:s17] =	ssyncset.done $0x0;
	(pc) =	sbr.rel @p0 .LBB2_1-.Ltmp1, $4  }
0xdf: {  	[sflag:s17] =	ssyncadd.s32 $0xFFFFE700  }
0xe0: {  	_ =	swait.ge [sflag:s17], $0x1900  }
0xe1: {  	[sflag:s17] =	ssyncset.done $0x0  }
0xe2: {  	[sflag:s17] =	ssyncadd.s32 $0xFFFFE700  }
0xe3: {  	_ =	sfence.sel $0x180000  }
0xe4: {  	[bflag:$0x0] =	sbarrier.arrive $0xFFFF  }
0xe5: {  	p0 =	sne.s32 s0, $0x0;
	_ =	strace $0x90000047  }
0xe6: {  	s0 =	sadd.s32 @!p0 $0x100000, s1;
	[bflag:$0x2] =	sbarrier.arrive $0xFFFF  }
0xe7: {  	[sflag:s0] =	ssyncadd.tile.s32 @!p0 $0x1;
	_ =	shalt  }
.Lfunc_end2:
_tile_overlayer_lowered:
.L_overlay_start_2:
0xe8: {  	(tag) =	ssettag $0x2  }
0xe9: {  	s0 =	rddreg [dreg:$0x0];
	s2 =	stileid.u32  }
0xea: {  	s1 =	rddreg [dreg:$0x1];
	p0 =	sne.s32 s2, $0x0  }
0xeb: {  	s3 =	rddreg [dreg:$0x2];
	[bflag:$0x3] =	sbarrier.arrive $0xFFFF;
	s2 =	simm.s32 @!p0 $0x1C03  }
0xec: {  	[timem:s3], [sflag:s2] =	dma.local @!p0 [hbm:s0], s1  }
0xed: {  	s0 =	simm.s32 @!p0 $0x3  }
0xee: {  	_ =	swait.ge @!p0 [sflag:s0], s1  }
0xef: {  	s1 =	ssub.s32 @!p0 $0x0, s1;
	[sflag:s0] =	ssyncset.done @!p0 $0x0  }
0xf0: {  	[sflag:s0] =	ssyncadd.s32 @!p0 s1  }
0xf1: {  	[bflag:$0x3] =	sbarrier.arrive $0xFFFF  }
0xf2: {  	_ =	shalt  }

// kernel: sparse-core-data-format-call.cloned.1.call-start
scs
called_computation_lowered:
.L_overlay_start_0:
0x0: {  	s2 =	sld [smem:$0x3FD9]  }
0x1: {  	s3 =	sld [smem:$0x3FFE];
	_ =	sdelay $0x1  }
0x2: {  	s1 =	srdreg.scid  }
0x3: {  	s0 =	sand.u32 $0x1, s1  }
0x4: {  	s18 =	sshll.u32 s0, $0xA;
	s2 =	sadd.s32 s3, s2  }
0x5: {  	s2 =	sadd.s32 s2, s18  }
0x6: {  	[smem:$0x3FC6] =	sst s2  }
0x7: {  	_ = 	snop  }
0x8: {  	s2 =	sld [smem:$0x3FD0];
	(tm) =	ssettm $0x1  }
0x9: {  	s19 =	sld [smem:$0x3FFB];
	_ =	sdelay $0x3  }
0xa: {  	_ =	strace s19  }
0xb: {  	s3 =	sld [smem:$0x3FFC];
	_ =	sdelay $0x3  }
0xc: {  	_ =	strace s3  }
0xd: {  	s3 =	sld [smem:$0x3FFD];
	_ =	sdelay $0x3  }
0xe: {  	_ =	strace s3  }
0xf: {  	_ =	strace $0x8FFFFFFF  }
0x10: {  	s20 =	sld [smem:$0x3FDB];
	_ =	sdelay $0x1  }
0x11: {  	s4 =	simm.s32 $_scs_section_size  }
0x12: {  	s5 =	simm.s32 $_size__tile_overlayer_lowered;
	s6 =	simm.s32 $_tile_overlayer_lowered  }
0x13: {  	s23 =	simm.s32 $0x1BFF;
	s22 =	sshll.u32 s6, $0x1;
	s3 =	sadd.s32 s4, s20  }
0x14: {  	s7 =	simm.s32 $0x0;
	s21 =	sshll.u32 s5, $0x1;
	s5 =	sadd.s32 s22, s3  }
0x15: {  	[timem:s7], [sflag:s23] =	dma.local [hbm:s5], s21  }
0x16: {  	_ =	swait.ge [sflag:s23], s21  }
0x17: {  	s4 =	ssub.s32 $0x0, s21;
	[sflag:s23] =	ssyncset.done $0x0  }
0x18: {  	[sflag:s23] =	ssyncadd.s32 s4;
	_ =	sdelay $0x1  }
0x19: {  	s24 =	simm.s32 $0x1B8B  }
0x1a: {  	_ =	swait.ge [sflag:s24], $0x1  }
0x1b: {  	[sflag:s24] =	ssyncset.done $0x0  }
0x1c: {  	s26 =	simm.s32 $0x1B8E;
	s25 =	sld [smem:$0x3FFE];
	[sflag:s24] =	ssyncadd.s32 $0xFFFFFFFF  }
0x1d: {  	s27 =	simm.s32 $execute0_lowered;
	[smem:$0x3FD2] =	sst s26  }
0x1e: {  	s5 =	sshll.u32 s27, $0x1;
	_ =	strace $0x80000049;
	[dreg:$0x1] =	wrdreg $0xFFFFFFFF  }
0x1f: {  	s28 =	simm.s32 $_size_execute0_lowered;
	s3 =	sadd.s32 s3, s5;
	[dreg:$0x0] =	wrdreg $0x0  }
0x20: {  	s5 =	sshll.u32 s28, $0x1;
	[dreg:$0x2] =	wrdreg s3  }
0x21: {  	[dreg:$0x3] =	wrdreg s5  }
0x22: {  	[dreg:$0x4] =	wrdreg $0xC0  }
0x23: {  	_ =	task [dreg:s7], $0x5FFFF  }
0x24: {  	[dreg:$0x1] =	wrdreg $0xFFFFFFFF  }
0x25: {  	[dreg:$0x0] =	wrdreg $0x60  }
0x26: {  	[dreg:$0x2] =	wrdreg s25  }
0x27: {  	[dreg:$0x3] =	wrdreg s2  }
0x28: {  	[dreg:$0x4] =	wrdreg $0x9  }
0x29: {  	_ =	task.clear_ibuf [dreg:s7], $0x5FFFF;
	_ =	strace $0x90000049  }
0x2a: {  	s29 =	simm.s32 $0x9;
	_ =	strace $0x8000004B  }
0x2b: {  	_ =	swait.ge [sflag:s29], $0x1  }
0x2c: {  	[sflag:s29] =	ssyncadd.s32 $0xFFFFFFFF  }
0x2d: {  	_ =	strace $0x9000004B  }
0x2e: {  	_ =	sfence  }
0x2f: {  	s30 =	sld [smem:$0x0];
	_ =	sdelay $0x2  }
0x30: {  	s31 =	sshll.u32 s1, $0xD;
	s1 =	sshrl.u32 s1, $0x2  }
0x31: {  	s3 =	sand.u32 $0x4000, s31;
	s1 =	sadd.s32 s1, s30  }
0x32: {  	s0 =	sor.u32 s3, s0;
	s1 =	sshll.u32 s1, $0x11  }
0x33: {  	s0 =	sor.u32 s1, s0  }
0x34: {  	s0 =	sadd.s32 $0x8F2B, s0  }
0x35: {  	[sflag:s0] =	ssyncadd.remote.s32 $0x1  }
0x36: {  	_ =	sfence.sel $0xFFFF  }
0x37: {  	[dreg:$0x0] =	wrdreg $0xFFFFFFFF;
	(pc) =	sbr.abs _section_cstart, $3  }
0x38: {  	[dreg:$0x1] =	wrdreg $0xFFFFFFFF  }
0x39: {  	_ =	task.clear_ibuf [dreg:s7], $0x2FFFF;
	_ =	strace $0x9FFFFFFF  }
0x3a: {  	(tm) =	ssettm $0x7FFFFFFF  }
0x3b: {  	_ =	shalt  }
tec
execute0_lowered:
.L_overlay_start_1:
0x0: {  	(tag) =	ssettag $0x1  }
0x1: {  	s0 =	srdreg.scid  }
0x2: {  	s1 =	sshll.u32 s0, $0x4  }
0x3: {  	s0 =	stileid.u32;
	s1 =	sand.u32 $0x10, s1  }
0x4: {  	s1 =	sor.u32 s0, s1  }
0x5: {  	s6 =	rddreg [dreg:$0x0];
	s4 =	simm.s32 $0x1;
	s2 =	sshll.u32 s1, $0x7  }
0x6: {  	s7 =	simm.s32 $0x2;
	s12 =	simm.s32 $0x0;
	s1 =	ssub.s32 $0x1000, s2  }
0x7: {  	s8 =	simm.s32 $0x8000;
	s13 =	simm.s32 $0x0;
	s3 =	sand.u32 $0xF80, s1  }
0x8: {  	s9 =	simm.s32 $0x0;
	s5 =	sshrl.u32 s1, $0xC;
	p0 =	sne.s32 s3, $0x0  }
.Ltmp0:
0x9: {  	s1 =	rddreg [dreg:$0x2];
	s4 =	simm.s32 @!p0 $0x0;
	(pc) =	sbr.rel .LBB1_1-.Ltmp0, $4  }
0xa: {  	s11 =	simm.s32 $0x0;
	s3 =	rddreg [dreg:$0x1];
	s5 =	sadd.s32 s4, s5  }
0xb: {  	_ =	strace $0x8000004A;
	s4 =	simm.s32 $0x1;
	s5 =	smul.u32 $0xC8, s5  }
0xc: {  	s6 =	sadd.s32 $0xA00, s6;
	s10 =	smov.u32 s2;
	[sflag:s4] =	ssyncpa.u1 $0x0  }
0xd: {  	p0 =	por $0x0, $0x0;
	[sflag:s7] =	ssyncpa.u1 $0x0;
	s7 =	sor.u32 $0x1, s5  }
.LBB1_4:
0xe: {  	s16 =	sshll.u32 s13, $0x3;
	s17 =	sand.u32 $0x78, s13  }
0xf: {  	s30 =	sand.u32 $0x3E00, s13;
	s12 =	sshll.u32 s12, $0xE;
	s16 =	sand.u32 $0xC00, s16  }
0x10: {  	s31 =	sand.u32 $0x7, s13;
	s16 =	sor.u32 s17, s16;
	s17 =	sadd.s32 s3, s30  }
0x11: {  	s13 =	sshll.u32 s31, $0x12;
	s16 =	sshrl.u32 s16, $0x3;
	s12 =	sadd.s32 s12, s17  }
0x12: {  	[tilespmem:s15+$0x0 ss:$0x81] =	vst.msk $0xffff, v0;
	s13 =	sor.u32 $0x400, s13;
	s12 =	sadd.s32 s16, s12  }
0x13: {  	[hbm4b:s12+s13] =	stream.strided.scatter [tilespmem:s14], [sflag:$0x2], $0x1000, s8, s13, $0x20;
	[tilespmem:$0x4040] =	vst v63  }
.LBB1_5:
0x14: {  	s14 =	sadd.s32 $0x1, s9  }
0x15: {  	s12 =	sadd.s32 $0x1000, s10;
	s16 =	smov.u32 s10;
	p2 =	sgt.s32 s14, $0xC7  }
0x16: {  	s16 =	smov.u32 @p2 s12  }
0x17: {  	s14 =	simm.s32 @p2 $0x0;
	p2 =	sgt.s32 s16, $0xFFF  }
0x18: {  	s16 =	smov.u32 @p2 s2;
	p2 =	sne.s32 s11, s7  }
.Ltmp1:
0x19: {  	p1 =	slt.u32 s11, $0x2;
	(pc) =	sbr.rel @!p2 .LBB1_6-.Ltmp1, $4  }
0x1a: {  	s15 =	simm.s32 @!p1 $0x2  }
0x1b: {  	s13 =	smov.u32 s10;
	p0 =	por !p0, !p0;
	_ =	swait.ge @!p1 [sflag:s15], $0x1000  }
0x1c: {  	s12 =	smov.u32 s9;
	[sflag:s15] =	ssyncset.done @!p1 $0x0;
	s9 =	smov.u32 s14  }
0x1d: {  	s11 =	sadd.s32 $0x1, s11;
	[sflag:s15] =	ssyncadd.s32 @!p1 $0xFFFFF000;
	s10 =	smov.u32 s16  }
.LBB1_1:
0x1e: {  	p1 =	sge.u32 s11, s5  }
0x1f: {  	s14 =	sand.u32 @!p1 $0x1FFFFFF, s9  }
0x20: {  	s15 =	smulhi.u32 @!p1 $0x147AE15, s14;
	_ =	sdelay $0x1  }
0x21: {  	s15 =	smul.u32 @!p1 $0xC8, s15  }
0x22: {  	s16 =	sxor.u32 @!p1 $0xFFFFFFFF, s11;
	s17 =	smul.u32 @!p1 $0xC80, s10  }
0x23: {  	s31 =	sadd.s32 $0xFFFFFFFF, s11;
	s16 =	sshll.u32 @!p1 s16, $0xC;
	s14 =	ssub.s32 @!p1 s14, s15  }
0x24: {  	s15 =	sand.u32 @!p1 $0x1000, s16;
	s16 =	sadd.s32 @!p1 s6, s17;
	s14 =	sshll.u32 @!p1 s14, $0x4  }
0x25: {  	s17 =	simm.s32 @!p1 $0x6400;
	s14 =	sadd.s32 @!p1 s14, s16;
	s16 =	simm.s32 @!p1 $0x20  }
0x26: {  	[tilespmem:s15], [sflag:$0x1] =	stream.strided.gather @!p1 [hbm4b:s14+s16], $0x1000, s17, s16, $0x38;
	[tilespmem:$0x4040] =	vst v63  }
0x27: {  	p1 =	sge.u32 s31, s5  }
.Ltmp2:
0x28: {  	_ = 	snop;
	(pc) =	sbr.rel @p1 .LBB1_5-.Ltmp2, $1  }
0x29: {  	_ =	sdelay $0x3  }
0x2a: {  	s14 =	simm.s32 $0x1  }
0x2b: {  	_ =	swait.ge [sflag:s4], $0x1000;
	s14 =	simm.s32 @!p0 $0x0  }
0x2c: {  	[sflag:s4] =	ssyncset.done $0x0;
	s15 =	sshll.u32 s14, $0xC  }
0x2d: {  	[sflag:s4] =	ssyncadd.s32 $0xFFFFF000;
	s18 =	sor.u32 $0x10, s15  }
0x2e: {  	s14 =	smul.u32 $0x4080, s14;
	v1 =	vld [tilespmem:s18+$0x0]  }
0x2f: {  	s30 =	sand.u32 $0x1, s11;
	v0 =	vld [tilespmem:s18+$0xFFFFFFF0]  }
0x30: {  	s15 =	smul.u32 $0x4080, s30;
	s14 =	sshrl.u32 s14, $0x2  }
0x31: {  	s16 =	sor.u32 $0x2000, s14  }
0x32: {  	s31 =	sshrl.u32 s15, $0x2;
	s15 =	sadd.s32 $0x0, s16  }
0x33: {  	s17 =	simm.s32 $0x4;
	s18 =	sadd.s32 $0x20, s18;
	s14 =	sor.u32 $0x2000, s31;
	[tilespmem:s15+$0x810 ss:$0x81] =	vst.msk $0xffff, v1  }
.LBB1_3:
0x34: {  	v1 =	vld [tilespmem:s18+$0x0];
	p1 =	sne.s32 s17, $0x1FC;
	[tilespmem:s15+$0x0 ss:$0x81] =	vst.msk $0xffff, v0;
	s15 =	smov.u32 s17;
	s17 =	sadd.s32 $0x4, s17  }
.Ltmp3:
0x35: {  	v0 =	vld [tilespmem:s18+$0xFFFFFFF0];
	(pc) =	sbr.rel @p1 .LBB1_3-.Ltmp3, $4  }
0x36: {  	_ = 	snop  }
0x37: {  	s15 =	sshra.s32 s15, $0x2  }
0x38: {  	s15 =	sadd.s32 s15, s16  }
0x39: {  	s18 =	sadd.s32 $0x20, s18;
	[tilespmem:s15+$0x810 ss:$0x81] =	vst.msk $0xffff, v1  }
.Ltmp4:
0x3a: {  	_ = 	snop;
	(pc) =	sbr.rel .LBB1_4-.Ltmp4, $1  }
0x3b: {  	_ =	sdelay $0x3  }
.LBB1_6:
0x3c: {  	_ =	sfence.sel $0x180000  }
0x3d: {  	s2 =	simm.s32 $0x1;
	[bflag:$0x0] =	sbarrier.arrive $0xFFFF  }
0x3e: {  	s31 =	simm.s32 $0x2;
	[sflag:s2] =	ssyncpa.u1 $0x1  }
0x3f: {  	[sflag:s31] =	ssyncpa.u1 $0x1  }
0x40: {  	p0 =	sne.s32 s0, $0x0;
	_ =	strace $0x9000004A  }
0x41: {  	s0 =	sadd.s32 @!p0 $0x100000, s1;
	[bflag:$0x2] =	sbarrier.arrive $0xFFFF  }
0x42: {  	[sflag:s0] =	ssyncadd.tile.s32 @!p0 $0x1;
	_ =	shalt  }
.Lfunc_end1:
_tile_overlayer_lowered:
.L_overlay_start_2:
0x43: {  	(tag) =	ssettag $0x2  }
0x44: {  	s0 =	rddreg [dreg:$0x0];
	s2 =	stileid.u32  }
0x45: {  	s1 =	rddreg [dreg:$0x1];
	p0 =	sne.s32 s2, $0x0  }
0x46: {  	s3 =	rddreg [dreg:$0x2];
	[bflag:$0x3] =	sbarrier.arrive $0xFFFF;
	s2 =	simm.s32 @!p0 $0x1C01  }
0x47: {  	[timem:s3], [sflag:s2] =	dma.local @!p0 [hbm:s0], s1  }
0x48: {  	s0 =	simm.s32 @!p0 $0x1  }
0x49: {  	_ =	swait.ge @!p0 [sflag:s0], s1  }
0x4a: {  	s1 =	ssub.s32 @!p0 $0x0, s1;
	[sflag:s0] =	ssyncset.done @!p0 $0x0  }
0x4b: {  	[sflag:s0] =	ssyncadd.s32 @!p0 s1  }
0x4c: {  	[bflag:$0x3] =	sbarrier.arrive $0xFFFF  }
0x4d: {  	_ =	shalt  }

</sc_bundles>
